<compile_context>
chip_gen: v7x
topology: tpu7x:2x2x1
jax: 0.10.2.dev20260603
libtpu: 0.0.44.dev20260713+nightly
codegen_flags: <defaults>
</compile_context>

<pallas_src>
import functools

import jax
import jax.numpy as jnp
from jax import lax
from jax.experimental import pallas as pl
from jax.experimental.pallas import tpu as pltpu
from jax.experimental.pallas import tpu_sc as plsc

EMB_DIM = 64
PAD_D = 128
NUM_CORES = 2
NUM_SUBCORES = 16
NUM_WORKERS = NUM_CORES * NUM_SUBCORES
N_BUF = 8
K_AHEAD = 6
PAD_BLK = 16000


def _pad_tc(wt):
    V = wt.shape[1]

    def body(wt_ref, o_ref):
        rows = wt_ref[...].T
        o_ref[...] = jnp.concatenate([rows, rows], axis=1)

    return pl.pallas_call(
        body,
        grid=(pl.cdiv(V, PAD_BLK),),
        in_specs=[pl.BlockSpec((EMB_DIM, PAD_BLK), lambda i: (0, i))],
        out_specs=pl.BlockSpec((PAD_BLK, PAD_D), lambda i: (i, 0)),
        out_shape=jax.ShapeDtypeStruct((V, PAD_D), jnp.float32),
    )(wt)


def _gather(x2, w2, cols):
    n_rows = x2.shape[0]
    rows_per_w = n_rows // NUM_WORKERS
    nblk = rows_per_w // N_BUF
    mesh = plsc.VectorSubcoreMesh(core_axis_name="c", subcore_axis_name="s")

    @functools.partial(
        pl.kernel,
        mesh=mesh,
        out_type=jax.ShapeDtypeStruct((n_rows, cols, EMB_DIM), jnp.float32),
        compiler_params=pltpu.CompilerParams(use_tc_tiling_on_sc=False),
        scratch_types=(
            [pltpu.VMEM((rows_per_w, cols), jnp.int32)]
            + [pltpu.VMEM((cols, EMB_DIM), jnp.float32)] * N_BUF
            + [pltpu.SemaphoreType.DMA] * (2 * N_BUF)
        ),
    )
    def k(x_hbm, w_hbm, out_hbm, idx_v, *rest):
        bufs = rest[:N_BUF]
        gsems = rest[N_BUF : 2 * N_BUF]
        osems = rest[2 * N_BUF :]
        wid = lax.axis_index("s") * NUM_CORES + lax.axis_index("c")
        base = wid * rows_per_w
        pltpu.sync_copy(x_hbm.at[pl.ds(base, rows_per_w)], idx_v)

        def gather_start(c, b):
            pltpu.make_async_copy(
                w_hbm.at[idx_v.at[c]], bufs[b], gsems[b]
            ).start()

        def gather_wait(b):
            pltpu.make_async_copy(
                w_hbm.at[idx_v.at[0]], bufs[b], gsems[b]
            ).wait()

        def store_start(c, b):
            pltpu.make_async_copy(
                bufs[b], out_hbm.at[base + c], osems[b]
            ).start()

        def store_wait(b):
            pltpu.make_async_copy(
                bufs[b], out_hbm.at[base], osems[b]
            ).wait()

        def block(jj, first=False, last=False):
            for b in range(N_BUF):
                c = jj * N_BUF + b
                gather_wait(b)
                store_start(c, b)
                bk = (b + K_AHEAD) % N_BUF
                if last and b >= N_BUF - K_AHEAD:
                    continue
                if not (first and b < N_BUF - K_AHEAD):
                    store_wait(bk)
                gather_start(c + K_AHEAD, bk)

        for c in range(K_AHEAD):
            gather_start(c, c)
        block(0, first=True)
        lax.fori_loop(1, nblk - 1, lambda jj, cr: (block(jj), cr)[1], 0)
        block(nblk - 1, last=True)
        for b in range(N_BUF):
            store_wait(b)

    return k(x2, w2)


@functools.partial(jax.jit, static_argnums=(2,))
def _embed(x, weights, cols):
    w128 = _pad_tc(weights.T)
    w2 = w128.reshape(2 * weights.shape[0], EMB_DIM)
    return _gather(x * 2, w2, cols)


def kernel(x, weights):
    n_rows, cols = x.shape
    assert n_rows % (NUM_WORKERS * N_BUF) == 0
    assert cols <= 128
    return _embed(x.astype(jnp.int32), weights, cols)

# --- scband reference (transcript-rebuilt; emitter-appended) ---
"""Pipeline reference for scband-embedding-11003706213200 (READ-ONLY COPY).

The authoritative reference and input builder live on the scoring server;
editing this copy changes nothing except your own understanding.
"""

import jax, jax.numpy as jnp
import numpy as np

NUM_EMBEDDINGS = 1000000
EMBEDDING_DIM = 64

def setup_inputs(seed: int = 0) -> dict:
    key = jax.random.key(seed)
    k_idx, k_w = jax.random.split(key)
    x = jax.random.randint(k_idx, (16384, 26), 0, NUM_EMBEDDINGS, dtype=jnp.int64 if jax.config.jax_enable_x64 else jnp.int32)
    # truncated normal init with std=1, a=-3, b=3
    weights = jax.random.truncated_normal(k_w, -3.0, 3.0, (NUM_EMBEDDINGS, EMBEDDING_DIM), dtype=jnp.float32)
    return {"x": x, "weights": weights}

def reference(x, weights):
    # Embedding lookup: weights[x]
    return jnp.take(weights, x, axis=0)

if __name__ == "__main__":
    import jax
    _d = setup_inputs()
    print(jax.jit(kernel)(*tuple(_d.values())))

</pallas_src>

<mosaic_0001>
#map = affine_map<(d0, d1) -> (0, 0)>
#map1 = affine_map<(d0, d1) -> (0, 0, 0)>
module attributes {stable_mosaic.version = 14 : i64} {
  func.func @k(%arg0: i32, %arg1: i32, %arg2: memref<16384x26xi32, #tpu.memory_space<hbm>>, %arg3: memref<2000000x64xf32, #tpu.memory_space<hbm>>, %arg4: memref<16384x26x64xf32, #tpu.memory_space<hbm>>, %arg5: memref<512x26xi32, #tpu.memory_space<vmem>>, %arg6: memref<26x64xf32, #tpu.memory_space<vmem>>, %arg7: memref<26x64xf32, #tpu.memory_space<vmem>>, %arg8: memref<26x64xf32, #tpu.memory_space<vmem>>, %arg9: memref<26x64xf32, #tpu.memory_space<vmem>>, %arg10: memref<26x64xf32, #tpu.memory_space<vmem>>, %arg11: memref<26x64xf32, #tpu.memory_space<vmem>>, %arg12: memref<26x64xf32, #tpu.memory_space<vmem>>, %arg13: memref<26x64xf32, #tpu.memory_space<vmem>>, %arg14: memref<!tpu.dma_semaphore, #tpu.memory_space<semaphore_mem>>, %arg15: memref<!tpu.dma_semaphore, #tpu.memory_space<semaphore_mem>>, %arg16: memref<!tpu.dma_semaphore, #tpu.memory_space<semaphore_mem>>, %arg17: memref<!tpu.dma_semaphore, #tpu.memory_space<semaphore_mem>>, %arg18: memref<!tpu.dma_semaphore, #tpu.memory_space<semaphore_mem>>, %arg19: memref<!tpu.dma_semaphore, #tpu.memory_space<semaphore_mem>>, %arg20: memref<!tpu.dma_semaphore, #tpu.memory_space<semaphore_mem>>, %arg21: memref<!tpu.dma_semaphore, #tpu.memory_space<semaphore_mem>>, %arg22: memref<!tpu.dma_semaphore, #tpu.memory_space<semaphore_mem>>, %arg23: memref<!tpu.dma_semaphore, #tpu.memory_space<semaphore_mem>>, %arg24: memref<!tpu.dma_semaphore, #tpu.memory_space<semaphore_mem>>, %arg25: memref<!tpu.dma_semaphore, #tpu.memory_space<semaphore_mem>>, %arg26: memref<!tpu.dma_semaphore, #tpu.memory_space<semaphore_mem>>, %arg27: memref<!tpu.dma_semaphore, #tpu.memory_space<semaphore_mem>>, %arg28: memref<!tpu.dma_semaphore, #tpu.memory_space<semaphore_mem>>, %arg29: memref<!tpu.dma_semaphore, #tpu.memory_space<semaphore_mem>>) attributes {dimension_semantics = [#tpu.dimension_semantics<core_parallel>, #tpu.dimension_semantics<subcore_parallel>], iteration_bounds = array<i64: 2, 16>, scalar_prefetch = 0 : i64, scratch_operands = 25 : i64, tpu.core_type = #tpu.core_type<sc_vector_subcore>, window_params = [{transform_indices = #map}, {transform_indices = #map}, {transform_indices = #map1}]} {
    %mul3A = arith.constant 2 : i32
    %mul3A_0 = arith.muli %arg1, %mul3A : i32
    %add3A = arith.addi %mul3A_0, %arg0 : i32
    %mul3A_1 = arith.constant 512 : i32
    %mul3A_2 = arith.muli %add3A, %mul3A_1 : i32
    "tpu.region"() ({
      %run_scoped3A = tpu.sem_alloc : memref<!tpu.dma_semaphore, #tpu.memory_space<semaphore_mem>>
      %dma_start3A_518 = arith.constant 0 : i32
      %dma_start3A_519 = tpu.memref_slice %arg2[%mul3A_2, %dma_start3A_518] : memref<16384x26xi32, #tpu.memory_space<hbm>> -> memref<512x26xi32, #tpu.memory_space<hbm>>
      %dma_start3A_520 = arith.constant 0 : i32
      %dma_start3A_521 = tpu.memref_slice %arg2[%mul3A_2, %dma_start3A_520] : memref<16384x26xi32, #tpu.memory_space<hbm>> -> memref<512x26xi32, #tpu.memory_space<hbm>>
      tpu.enqueue_dma source(%dma_start3A_521 : memref<512x26xi32, #tpu.memory_space<hbm>>) target(%arg5 : memref<512x26xi32, #tpu.memory_space<vmem>>) target_semaphore(%run_scoped3A : memref<!tpu.dma_semaphore, #tpu.memory_space<semaphore_mem>>)
      %dma_wait3A_522 = arith.constant 0 : i32
      %dma_wait3A_523 = tpu.memref_slice %arg2[%mul3A_2, %dma_wait3A_522] : memref<16384x26xi32, #tpu.memory_space<hbm>> -> memref<512x26xi32, #tpu.memory_space<hbm>>
      %dma_wait3A_524 = arith.constant 0 : i32
      %dma_wait3A_525 = tpu.memref_slice %arg2[%mul3A_2, %dma_wait3A_524] : memref<16384x26xi32, #tpu.memory_space<hbm>> -> memref<512x26xi32, #tpu.memory_space<hbm>>
      tpu.wait_dma2 semaphore(%run_scoped3A : memref<!tpu.dma_semaphore, #tpu.memory_space<semaphore_mem>>) src(%dma_wait3A_525 : memref<512x26xi32, #tpu.memory_space<hbm>>) dst(%arg5 : memref<512x26xi32, #tpu.memory_space<vmem>>)
      tpu.yield
    }) : () -> ()
    %dma_start3A = arith.constant 0 : i32
    %dma_start3A_3 = arith.constant 0 : i32
    %dma_start3A_4 = tpu.memref_slice %arg5[%dma_start3A, %dma_start3A_3] : memref<512x26xi32, #tpu.memory_space<vmem>> -> memref<1x26xi32, #tpu.memory_space<vmem>>
    %dma_start3A_5 = tpu.memref_squeeze %dma_start3A_4 : memref<1x26xi32, #tpu.memory_space<vmem>> -> memref<26xi32, #tpu.memory_space<vmem>>
    %dma_start3A_6 = arith.constant 0 : i32
    %dma_start3A_7 = arith.constant 0 : i32
    %dma_start3A_8 = tpu.memref_slice %arg3[%dma_start3A_6, %dma_start3A_7] : memref<2000000x64xf32, #tpu.memory_space<hbm>> -> memref<2000000x64xf32, #tpu.memory_space<hbm>>
    tpu.enqueue_indirect_dma source(%dma_start3A_8 : memref<2000000x64xf32, #tpu.memory_space<hbm>>) target(%arg6 : memref<26x64xf32, #tpu.memory_space<vmem>>) offsets(%dma_start3A_5 : memref<26xi32, #tpu.memory_space<vmem>>) semaphore(%arg14 : memref<!tpu.dma_semaphore, #tpu.memory_space<semaphore_mem>>)
    %dma_start3A_9 = arith.constant 1 : i32
    %dma_start3A_10 = arith.constant 0 : i32
    %dma_start3A_11 = tpu.memref_slice %arg5[%dma_start3A_9, %dma_start3A_10] : memref<512x26xi32, #tpu.memory_space<vmem>> -> memref<1x26xi32, #tpu.memory_space<vmem>>
    %dma_start3A_12 = tpu.memref_squeeze %dma_start3A_11 : memref<1x26xi32, #tpu.memory_space<vmem>> -> memref<26xi32, #tpu.memory_space<vmem>>
    %dma_start3A_13 = arith.constant 0 : i32
    %dma_start3A_14 = arith.constant 0 : i32
    %dma_start3A_15 = tpu.memref_slice %arg3[%dma_start3A_13, %dma_start3A_14] : memref<2000000x64xf32, #tpu.memory_space<hbm>> -> memref<2000000x64xf32, #tpu.memory_space<hbm>>
    tpu.enqueue_indirect_dma source(%dma_start3A_15 : memref<2000000x64xf32, #tpu.memory_space<hbm>>) target(%arg7 : memref<26x64xf32, #tpu.memory_space<vmem>>) offsets(%dma_start3A_12 : memref<26xi32, #tpu.memory_space<vmem>>) semaphore(%arg15 : memref<!tpu.dma_semaphore, #tpu.memory_space<semaphore_mem>>)
    %dma_start3A_16 = arith.constant 2 : i32
    %dma_start3A_17 = arith.constant 0 : i32
    %dma_start3A_18 = tpu.memref_slice %arg5[%dma_start3A_16, %dma_start3A_17] : memref<512x26xi32, #tpu.memory_space<vmem>> -> memref<1x26xi32, #tpu.memory_space<vmem>>
    %dma_start3A_19 = tpu.memref_squeeze %dma_start3A_18 : memref<1x26xi32, #tpu.memory_space<vmem>> -> memref<26xi32, #tpu.memory_space<vmem>>
    %dma_start3A_20 = arith.constant 0 : i32
    %dma_start3A_21 = arith.constant 0 : i32
    %dma_start3A_22 = tpu.memref_slice %arg3[%dma_start3A_20, %dma_start3A_21] : memref<2000000x64xf32, #tpu.memory_space<hbm>> -> memref<2000000x64xf32, #tpu.memory_space<hbm>>
    tpu.enqueue_indirect_dma source(%dma_start3A_22 : memref<2000000x64xf32, #tpu.memory_space<hbm>>) target(%arg8 : memref<26x64xf32, #tpu.memory_space<vmem>>) offsets(%dma_start3A_19 : memref<26xi32, #tpu.memory_space<vmem>>) semaphore(%arg16 : memref<!tpu.dma_semaphore, #tpu.memory_space<semaphore_mem>>)
    %dma_start3A_23 = arith.constant 3 : i32
    %dma_start3A_24 = arith.constant 0 : i32
    %dma_start3A_25 = tpu.memref_slice %arg5[%dma_start3A_23, %dma_start3A_24] : memref<512x26xi32, #tpu.memory_space<vmem>> -> memref<1x26xi32, #tpu.memory_space<vmem>>
    %dma_start3A_26 = tpu.memref_squeeze %dma_start3A_25 : memref<1x26xi32, #tpu.memory_space<vmem>> -> memref<26xi32, #tpu.memory_space<vmem>>
    %dma_start3A_27 = arith.constant 0 : i32
    %dma_start3A_28 = arith.constant 0 : i32
    %dma_start3A_29 = tpu.memref_slice %arg3[%dma_start3A_27, %dma_start3A_28] : memref<2000000x64xf32, #tpu.memory_space<hbm>> -> memref<2000000x64xf32, #tpu.memory_space<hbm>>
    tpu.enqueue_indirect_dma source(%dma_start3A_29 : memref<2000000x64xf32, #tpu.memory_space<hbm>>) target(%arg9 : memref<26x64xf32, #tpu.memory_space<vmem>>) offsets(%dma_start3A_26 : memref<26xi32, #tpu.memory_space<vmem>>) semaphore(%arg17 : memref<!tpu.dma_semaphore, #tpu.memory_space<semaphore_mem>>)
    %dma_start3A_30 = arith.constant 4 : i32
    %dma_start3A_31 = arith.constant 0 : i32
    %dma_start3A_32 = tpu.memref_slice %arg5[%dma_start3A_30, %dma_start3A_31] : memref<512x26xi32, #tpu.memory_space<vmem>> -> memref<1x26xi32, #tpu.memory_space<vmem>>
    %dma_start3A_33 = tpu.memref_squeeze %dma_start3A_32 : memref<1x26xi32, #tpu.memory_space<vmem>> -> memref<26xi32, #tpu.memory_space<vmem>>
    %dma_start3A_34 = arith.constant 0 : i32
    %dma_start3A_35 = arith.constant 0 : i32
    %dma_start3A_36 = tpu.memref_slice %arg3[%dma_start3A_34, %dma_start3A_35] : memref<2000000x64xf32, #tpu.memory_space<hbm>> -> memref<2000000x64xf32, #tpu.memory_space<hbm>>
    tpu.enqueue_indirect_dma source(%dma_start3A_36 : memref<2000000x64xf32, #tpu.memory_space<hbm>>) target(%arg10 : memref<26x64xf32, #tpu.memory_space<vmem>>) offsets(%dma_start3A_33 : memref<26xi32, #tpu.memory_space<vmem>>) semaphore(%arg18 : memref<!tpu.dma_semaphore, #tpu.memory_space<semaphore_mem>>)
    %dma_start3A_37 = arith.constant 5 : i32
    %dma_start3A_38 = arith.constant 0 : i32
    %dma_start3A_39 = tpu.memref_slice %arg5[%dma_start3A_37, %dma_start3A_38] : memref<512x26xi32, #tpu.memory_space<vmem>> -> memref<1x26xi32, #tpu.memory_space<vmem>>
    %dma_start3A_40 = tpu.memref_squeeze %dma_start3A_39 : memref<1x26xi32, #tpu.memory_space<vmem>> -> memref<26xi32, #tpu.memory_space<vmem>>
    %dma_start3A_41 = arith.constant 0 : i32
    %dma_start3A_42 = arith.constant 0 : i32
    %dma_start3A_43 = tpu.memref_slice %arg3[%dma_start3A_41, %dma_start3A_42] : memref<2000000x64xf32, #tpu.memory_space<hbm>> -> memref<2000000x64xf32, #tpu.memory_space<hbm>>
    tpu.enqueue_indirect_dma source(%dma_start3A_43 : memref<2000000x64xf32, #tpu.memory_space<hbm>>) target(%arg11 : memref<26x64xf32, #tpu.memory_space<vmem>>) offsets(%dma_start3A_40 : memref<26xi32, #tpu.memory_space<vmem>>) semaphore(%arg19 : memref<!tpu.dma_semaphore, #tpu.memory_space<semaphore_mem>>)
    %dma_wait3A = arith.constant 0 : i32
    %dma_wait3A_44 = arith.constant 0 : i32
    %dma_wait3A_45 = tpu.memref_slice %arg5[%dma_wait3A, %dma_wait3A_44] : memref<512x26xi32, #tpu.memory_space<vmem>> -> memref<1x26xi32, #tpu.memory_space<vmem>>
    %dma_wait3A_46 = tpu.memref_squeeze %dma_wait3A_45 : memref<1x26xi32, #tpu.memory_space<vmem>> -> memref<26xi32, #tpu.memory_space<vmem>>
    %dma_wait3A_47 = arith.constant 0 : i32
    %dma_wait3A_48 = arith.constant 0 : i32
    %dma_wait3A_49 = tpu.memref_slice %arg3[%dma_wait3A_47, %dma_wait3A_48] : memref<2000000x64xf32, #tpu.memory_space<hbm>> -> memref<2000000x64xf32, #tpu.memory_space<hbm>>
    tpu.wait_indirect_dma semaphore(%arg14 : memref<!tpu.dma_semaphore, #tpu.memory_space<semaphore_mem>>) src(%dma_wait3A_49 : memref<2000000x64xf32, #tpu.memory_space<hbm>>) dst(%arg6 : memref<26x64xf32, #tpu.memory_space<vmem>>)
    %add3A_50 = arith.constant 0 : i32
    %add3A_51 = arith.addi %mul3A_2, %add3A_50 : i32
    %dma_start3A_52 = arith.constant 0 : i32
    %dma_start3A_53 = arith.constant 0 : i32
    %dma_start3A_54 = tpu.memref_slice %arg4[%add3A_51, %dma_start3A_52, %dma_start3A_53] : memref<16384x26x64xf32, #tpu.memory_space<hbm>> -> memref<1x26x64xf32, #tpu.memory_space<hbm>>
    %dma_start3A_55 = tpu.memref_squeeze %dma_start3A_54 : memref<1x26x64xf32, #tpu.memory_space<hbm>> -> memref<26x64xf32, #tpu.memory_space<hbm>>
    %dma_start3A_56 = arith.constant 0 : i32
    %dma_start3A_57 = arith.constant 0 : i32
    %dma_start3A_58 = tpu.memref_slice %arg4[%add3A_51, %dma_start3A_56, %dma_start3A_57] : memref<16384x26x64xf32, #tpu.memory_space<hbm>> -> memref<1x26x64xf32, #tpu.memory_space<hbm>>
    %dma_start3A_59 = tpu.memref_squeeze %dma_start3A_58 : memref<1x26x64xf32, #tpu.memory_space<hbm>> -> memref<26x64xf32, #tpu.memory_space<hbm>>
    tpu.enqueue_dma source(%arg6 : memref<26x64xf32, #tpu.memory_space<vmem>>) target(%dma_start3A_59 : memref<26x64xf32, #tpu.memory_space<hbm>>) target_semaphore(%arg22 : memref<!tpu.dma_semaphore, #tpu.memory_space<semaphore_mem>>)
    %dma_start3A_60 = arith.constant 6 : i32
    %dma_start3A_61 = arith.constant 0 : i32
    %dma_start3A_62 = tpu.memref_slice %arg5[%dma_start3A_60, %dma_start3A_61] : memref<512x26xi32, #tpu.memory_space<vmem>> -> memref<1x26xi32, #tpu.memory_space<vmem>>
    %dma_start3A_63 = tpu.memref_squeeze %dma_start3A_62 : memref<1x26xi32, #tpu.memory_space<vmem>> -> memref<26xi32, #tpu.memory_space<vmem>>
    %dma_start3A_64 = arith.constant 0 : i32
    %dma_start3A_65 = arith.constant 0 : i32
    %dma_start3A_66 = tpu.memref_slice %arg3[%dma_start3A_64, %dma_start3A_65] : memref<2000000x64xf32, #tpu.memory_space<hbm>> -> memref<2000000x64xf32, #tpu.memory_space<hbm>>
    tpu.enqueue_indirect_dma source(%dma_start3A_66 : memref<2000000x64xf32, #tpu.memory_space<hbm>>) target(%arg12 : memref<26x64xf32, #tpu.memory_space<vmem>>) offsets(%dma_start3A_63 : memref<26xi32, #tpu.memory_space<vmem>>) semaphore(%arg20 : memref<!tpu.dma_semaphore, #tpu.memory_space<semaphore_mem>>)
    %dma_wait3A_67 = arith.constant 0 : i32
    %dma_wait3A_68 = arith.constant 0 : i32
    %dma_wait3A_69 = tpu.memref_slice %arg5[%dma_wait3A_67, %dma_wait3A_68] : memref<512x26xi32, #tpu.memory_space<vmem>> -> memref<1x26xi32, #tpu.memory_space<vmem>>
    %dma_wait3A_70 = tpu.memref_squeeze %dma_wait3A_69 : memref<1x26xi32, #tpu.memory_space<vmem>> -> memref<26xi32, #tpu.memory_space<vmem>>
    %dma_wait3A_71 = arith.constant 0 : i32
    %dma_wait3A_72 = arith.constant 0 : i32
    %dma_wait3A_73 = tpu.memref_slice %arg3[%dma_wait3A_71, %dma_wait3A_72] : memref<2000000x64xf32, #tpu.memory_space<hbm>> -> memref<2000000x64xf32, #tpu.memory_space<hbm>>
    tpu.wait_indirect_dma semaphore(%arg15 : memref<!tpu.dma_semaphore, #tpu.memory_space<semaphore_mem>>) src(%dma_wait3A_73 : memref<2000000x64xf32, #tpu.memory_space<hbm>>) dst(%arg7 : memref<26x64xf32, #tpu.memory_space<vmem>>)
    %add3A_74 = arith.constant 1 : i32
    %add3A_75 = arith.addi %mul3A_2, %add3A_74 : i32
    %dma_start3A_76 = arith.constant 0 : i32
    %dma_start3A_77 = arith.constant 0 : i32
    %dma_start3A_78 = tpu.memref_slice %arg4[%add3A_75, %dma_start3A_76, %dma_start3A_77] : memref<16384x26x64xf32, #tpu.memory_space<hbm>> -> memref<1x26x64xf32, #tpu.memory_space<hbm>>
    %dma_start3A_79 = tpu.memref_squeeze %dma_start3A_78 : memref<1x26x64xf32, #tpu.memory_space<hbm>> -> memref<26x64xf32, #tpu.memory_space<hbm>>
    %dma_start3A_80 = arith.constant 0 : i32
    %dma_start3A_81 = arith.constant 0 : i32
    %dma_start3A_82 = tpu.memref_slice %arg4[%add3A_75, %dma_start3A_80, %dma_start3A_81] : memref<16384x26x64xf32, #tpu.memory_space<hbm>> -> memref<1x26x64xf32, #tpu.memory_space<hbm>>
    %dma_start3A_83 = tpu.memref_squeeze %dma_start3A_82 : memref<1x26x64xf32, #tpu.memory_space<hbm>> -> memref<26x64xf32, #tpu.memory_space<hbm>>
    tpu.enqueue_dma source(%arg7 : memref<26x64xf32, #tpu.memory_space<vmem>>) target(%dma_start3A_83 : memref<26x64xf32, #tpu.memory_space<hbm>>) target_semaphore(%arg23 : memref<!tpu.dma_semaphore, #tpu.memory_space<semaphore_mem>>)
    %dma_start3A_84 = arith.constant 7 : i32
    %dma_start3A_85 = arith.constant 0 : i32
    %dma_start3A_86 = tpu.memref_slice %arg5[%dma_start3A_84, %dma_start3A_85] : memref<512x26xi32, #tpu.memory_space<vmem>> -> memref<1x26xi32, #tpu.memory_space<vmem>>
    %dma_start3A_87 = tpu.memref_squeeze %dma_start3A_86 : memref<1x26xi32, #tpu.memory_space<vmem>> -> memref<26xi32, #tpu.memory_space<vmem>>
    %dma_start3A_88 = arith.constant 0 : i32
    %dma_start3A_89 = arith.constant 0 : i32
    %dma_start3A_90 = tpu.memref_slice %arg3[%dma_start3A_88, %dma_start3A_89] : memref<2000000x64xf32, #tpu.memory_space<hbm>> -> memref<2000000x64xf32, #tpu.memory_space<hbm>>
    tpu.enqueue_indirect_dma source(%dma_start3A_90 : memref<2000000x64xf32, #tpu.memory_space<hbm>>) target(%arg13 : memref<26x64xf32, #tpu.memory_space<vmem>>) offsets(%dma_start3A_87 : memref<26xi32, #tpu.memory_space<vmem>>) semaphore(%arg21 : memref<!tpu.dma_semaphore, #tpu.memory_space<semaphore_mem>>)
    %dma_wait3A_91 = arith.constant 0 : i32
    %dma_wait3A_92 = arith.constant 0 : i32
    %dma_wait3A_93 = tpu.memref_slice %arg5[%dma_wait3A_91, %dma_wait3A_92] : memref<512x26xi32, #tpu.memory_space<vmem>> -> memref<1x26xi32, #tpu.memory_space<vmem>>
    %dma_wait3A_94 = tpu.memref_squeeze %dma_wait3A_93 : memref<1x26xi32, #tpu.memory_space<vmem>> -> memref<26xi32, #tpu.memory_space<vmem>>
    %dma_wait3A_95 = arith.constant 0 : i32
    %dma_wait3A_96 = arith.constant 0 : i32
    %dma_wait3A_97 = tpu.memref_slice %arg3[%dma_wait3A_95, %dma_wait3A_96] : memref<2000000x64xf32, #tpu.memory_space<hbm>> -> memref<2000000x64xf32, #tpu.memory_space<hbm>>
    tpu.wait_indirect_dma semaphore(%arg16 : memref<!tpu.dma_semaphore, #tpu.memory_space<semaphore_mem>>) src(%dma_wait3A_97 : memref<2000000x64xf32, #tpu.memory_space<hbm>>) dst(%arg8 : memref<26x64xf32, #tpu.memory_space<vmem>>)
    %add3A_98 = arith.constant 2 : i32
    %add3A_99 = arith.addi %mul3A_2, %add3A_98 : i32
    %dma_start3A_100 = arith.constant 0 : i32
    %dma_start3A_101 = arith.constant 0 : i32
    %dma_start3A_102 = tpu.memref_slice %arg4[%add3A_99, %dma_start3A_100, %dma_start3A_101] : memref<16384x26x64xf32, #tpu.memory_space<hbm>> -> memref<1x26x64xf32, #tpu.memory_space<hbm>>
    %dma_start3A_103 = tpu.memref_squeeze %dma_start3A_102 : memref<1x26x64xf32, #tpu.memory_space<hbm>> -> memref<26x64xf32, #tpu.memory_space<hbm>>
    %dma_start3A_104 = arith.constant 0 : i32
    %dma_start3A_105 = arith.constant 0 : i32
    %dma_start3A_106 = tpu.memref_slice %arg4[%add3A_99, %dma_start3A_104, %dma_start3A_105] : memref<16384x26x64xf32, #tpu.memory_space<hbm>> -> memref<1x26x64xf32, #tpu.memory_space<hbm>>
    %dma_start3A_107 = tpu.memref_squeeze %dma_start3A_106 : memref<1x26x64xf32, #tpu.memory_space<hbm>> -> memref<26x64xf32, #tpu.memory_space<hbm>>
    tpu.enqueue_dma source(%arg8 : memref<26x64xf32, #tpu.memory_space<vmem>>) target(%dma_start3A_107 : memref<26x64xf32, #tpu.memory_space<hbm>>) target_semaphore(%arg24 : memref<!tpu.dma_semaphore, #tpu.memory_space<semaphore_mem>>)
    %dma_wait3A_108 = arith.constant 0 : i32
    %dma_wait3A_109 = arith.constant 0 : i32
    %dma_wait3A_110 = tpu.memref_slice %arg4[%mul3A_2, %dma_wait3A_108, %dma_wait3A_109] : memref<16384x26x64xf32, #tpu.memory_space<hbm>> -> memref<1x26x64xf32, #tpu.memory_space<hbm>>
    %dma_wait3A_111 = tpu.memref_squeeze %dma_wait3A_110 : memref<1x26x64xf32, #tpu.memory_space<hbm>> -> memref<26x64xf32, #tpu.memory_space<hbm>>
    %dma_wait3A_112 = arith.constant 0 : i32
    %dma_wait3A_113 = arith.constant 0 : i32
    %dma_wait3A_114 = tpu.memref_slice %arg4[%mul3A_2, %dma_wait3A_112, %dma_wait3A_113] : memref<16384x26x64xf32, #tpu.memory_space<hbm>> -> memref<1x26x64xf32, #tpu.memory_space<hbm>>
    %dma_wait3A_115 = tpu.memref_squeeze %dma_wait3A_114 : memref<1x26x64xf32, #tpu.memory_space<hbm>> -> memref<26x64xf32, #tpu.memory_space<hbm>>
    tpu.wait_dma2 semaphore(%arg22 : memref<!tpu.dma_semaphore, #tpu.memory_space<semaphore_mem>>) src(%arg6 : memref<26x64xf32, #tpu.memory_space<vmem>>) dst(%dma_wait3A_115 : memref<26x64xf32, #tpu.memory_space<hbm>>)
    %dma_start3A_116 = arith.constant 8 : i32
    %dma_start3A_117 = arith.constant 0 : i32
    %dma_start3A_118 = tpu.memref_slice %arg5[%dma_start3A_116, %dma_start3A_117] : memref<512x26xi32, #tpu.memory_space<vmem>> -> memref<1x26xi32, #tpu.memory_space<vmem>>
    %dma_start3A_119 = tpu.memref_squeeze %dma_start3A_118 : memref<1x26xi32, #tpu.memory_space<vmem>> -> memref<26xi32, #tpu.memory_space<vmem>>
    %dma_start3A_120 = arith.constant 0 : i32
    %dma_start3A_121 = arith.constant 0 : i32
    %dma_start3A_122 = tpu.memref_slice %arg3[%dma_start3A_120, %dma_start3A_121] : memref<2000000x64xf32, #tpu.memory_space<hbm>> -> memref<2000000x64xf32, #tpu.memory_space<hbm>>
    tpu.enqueue_indirect_dma source(%dma_start3A_122 : memref<2000000x64xf32, #tpu.memory_space<hbm>>) target(%arg6 : memref<26x64xf32, #tpu.memory_space<vmem>>) offsets(%dma_start3A_119 : memref<26xi32, #tpu.memory_space<vmem>>) semaphore(%arg14 : memref<!tpu.dma_semaphore, #tpu.memory_space<semaphore_mem>>)
    %dma_wait3A_123 = arith.constant 0 : i32
    %dma_wait3A_124 = arith.constant 0 : i32
    %dma_wait3A_125 = tpu.memref_slice %arg5[%dma_wait3A_123, %dma_wait3A_124] : memref<512x26xi32, #tpu.memory_space<vmem>> -> memref<1x26xi32, #tpu.memory_space<vmem>>
    %dma_wait3A_126 = tpu.memref_squeeze %dma_wait3A_125 : memref<1x26xi32, #tpu.memory_space<vmem>> -> memref<26xi32, #tpu.memory_space<vmem>>
    %dma_wait3A_127 = arith.constant 0 : i32
    %dma_wait3A_128 = arith.constant 0 : i32
    %dma_wait3A_129 = tpu.memref_slice %arg3[%dma_wait3A_127, %dma_wait3A_128] : memref<2000000x64xf32, #tpu.memory_space<hbm>> -> memref<2000000x64xf32, #tpu.memory_space<hbm>>
    tpu.wait_indirect_dma semaphore(%arg17 : memref<!tpu.dma_semaphore, #tpu.memory_space<semaphore_mem>>) src(%dma_wait3A_129 : memref<2000000x64xf32, #tpu.memory_space<hbm>>) dst(%arg9 : memref<26x64xf32, #tpu.memory_space<vmem>>)
    %add3A_130 = arith.constant 3 : i32
    %add3A_131 = arith.addi %mul3A_2, %add3A_130 : i32
    %dma_start3A_132 = arith.constant 0 : i32
    %dma_start3A_133 = arith.constant 0 : i32
    %dma_start3A_134 = tpu.memref_slice %arg4[%add3A_131, %dma_start3A_132, %dma_start3A_133] : memref<16384x26x64xf32, #tpu.memory_space<hbm>> -> memref<1x26x64xf32, #tpu.memory_space<hbm>>
    %dma_start3A_135 = tpu.memref_squeeze %dma_start3A_134 : memref<1x26x64xf32, #tpu.memory_space<hbm>> -> memref<26x64xf32, #tpu.memory_space<hbm>>
    %dma_start3A_136 = arith.constant 0 : i32
    %dma_start3A_137 = arith.constant 0 : i32
    %dma_start3A_138 = tpu.memref_slice %arg4[%add3A_131, %dma_start3A_136, %dma_start3A_137] : memref<16384x26x64xf32, #tpu.memory_space<hbm>> -> memref<1x26x64xf32, #tpu.memory_space<hbm>>
    %dma_start3A_139 = tpu.memref_squeeze %dma_start3A_138 : memref<1x26x64xf32, #tpu.memory_space<hbm>> -> memref<26x64xf32, #tpu.memory_space<hbm>>
    tpu.enqueue_dma source(%arg9 : memref<26x64xf32, #tpu.memory_space<vmem>>) target(%dma_start3A_139 : memref<26x64xf32, #tpu.memory_space<hbm>>) target_semaphore(%arg25 : memref<!tpu.dma_semaphore, #tpu.memory_space<semaphore_mem>>)
    %dma_wait3A_140 = arith.constant 0 : i32
    %dma_wait3A_141 = arith.constant 0 : i32
    %dma_wait3A_142 = tpu.memref_slice %arg4[%mul3A_2, %dma_wait3A_140, %dma_wait3A_141] : memref<16384x26x64xf32, #tpu.memory_space<hbm>> -> memref<1x26x64xf32, #tpu.memory_space<hbm>>
    %dma_wait3A_143 = tpu.memref_squeeze %dma_wait3A_142 : memref<1x26x64xf32, #tpu.memory_space<hbm>> -> memref<26x64xf32, #tpu.memory_space<hbm>>
    %dma_wait3A_144 = arith.constant 0 : i32
    %dma_wait3A_145 = arith.constant 0 : i32
    %dma_wait3A_146 = tpu.memref_slice %arg4[%mul3A_2, %dma_wait3A_144, %dma_wait3A_145] : memref<16384x26x64xf32, #tpu.memory_space<hbm>> -> memref<1x26x64xf32, #tpu.memory_space<hbm>>
    %dma_wait3A_147 = tpu.memref_squeeze %dma_wait3A_146 : memref<1x26x64xf32, #tpu.memory_space<hbm>> -> memref<26x64xf32, #tpu.memory_space<hbm>>
    tpu.wait_dma2 semaphore(%arg23 : memref<!tpu.dma_semaphore, #tpu.memory_space<semaphore_mem>>) src(%arg7 : memref<26x64xf32, #tpu.memory_space<vmem>>) dst(%dma_wait3A_147 : memref<26x64xf32, #tpu.memory_space<hbm>>)
    %dma_start3A_148 = arith.constant 9 : i32
    %dma_start3A_149 = arith.constant 0 : i32
    %dma_start3A_150 = tpu.memref_slice %arg5[%dma_start3A_148, %dma_start3A_149] : memref<512x26xi32, #tpu.memory_space<vmem>> -> memref<1x26xi32, #tpu.memory_space<vmem>>
    %dma_start3A_151 = tpu.memref_squeeze %dma_start3A_150 : memref<1x26xi32, #tpu.memory_space<vmem>> -> memref<26xi32, #tpu.memory_space<vmem>>
    %dma_start3A_152 = arith.constant 0 : i32
    %dma_start3A_153 = arith.constant 0 : i32
    %dma_start3A_154 = tpu.memref_slice %arg3[%dma_start3A_152, %dma_start3A_153] : memref<2000000x64xf32, #tpu.memory_space<hbm>> -> memref<2000000x64xf32, #tpu.memory_space<hbm>>
    tpu.enqueue_indirect_dma source(%dma_start3A_154 : memref<2000000x64xf32, #tpu.memory_space<hbm>>) target(%arg7 : memref<26x64xf32, #tpu.memory_space<vmem>>) offsets(%dma_start3A_151 : memref<26xi32, #tpu.memory_space<vmem>>) semaphore(%arg15 : memref<!tpu.dma_semaphore, #tpu.memory_space<semaphore_mem>>)
    %dma_wait3A_155 = arith.constant 0 : i32
    %dma_wait3A_156 = arith.constant 0 : i32
    %dma_wait3A_157 = tpu.memref_slice %arg5[%dma_wait3A_155, %dma_wait3A_156] : memref<512x26xi32, #tpu.memory_space<vmem>> -> memref<1x26xi32, #tpu.memory_space<vmem>>
    %dma_wait3A_158 = tpu.memref_squeeze %dma_wait3A_157 : memref<1x26xi32, #tpu.memory_space<vmem>> -> memref<26xi32, #tpu.memory_space<vmem>>
    %dma_wait3A_159 = arith.constant 0 : i32
    %dma_wait3A_160 = arith.constant 0 : i32
    %dma_wait3A_161 = tpu.memref_slice %arg3[%dma_wait3A_159, %dma_wait3A_160] : memref<2000000x64xf32, #tpu.memory_space<hbm>> -> memref<2000000x64xf32, #tpu.memory_space<hbm>>
    tpu.wait_indirect_dma semaphore(%arg18 : memref<!tpu.dma_semaphore, #tpu.memory_space<semaphore_mem>>) src(%dma_wait3A_161 : memref<2000000x64xf32, #tpu.memory_space<hbm>>) dst(%arg10 : memref<26x64xf32, #tpu.memory_space<vmem>>)
    %add3A_162 = arith.constant 4 : i32
    %add3A_163 = arith.addi %mul3A_2, %add3A_162 : i32
    %dma_start3A_164 = arith.constant 0 : i32
    %dma_start3A_165 = arith.constant 0 : i32
    %dma_start3A_166 = tpu.memref_slice %arg4[%add3A_163, %dma_start3A_164, %dma_start3A_165] : memref<16384x26x64xf32, #tpu.memory_space<hbm>> -> memref<1x26x64xf32, #tpu.memory_space<hbm>>
    %dma_start3A_167 = tpu.memref_squeeze %dma_start3A_166 : memref<1x26x64xf32, #tpu.memory_space<hbm>> -> memref<26x64xf32, #tpu.memory_space<hbm>>
    %dma_start3A_168 = arith.constant 0 : i32
    %dma_start3A_169 = arith.constant 0 : i32
    %dma_start3A_170 = tpu.memref_slice %arg4[%add3A_163, %dma_start3A_168, %dma_start3A_169] : memref<16384x26x64xf32, #tpu.memory_space<hbm>> -> memref<1x26x64xf32, #tpu.memory_space<hbm>>
    %dma_start3A_171 = tpu.memref_squeeze %dma_start3A_170 : memref<1x26x64xf32, #tpu.memory_space<hbm>> -> memref<26x64xf32, #tpu.memory_space<hbm>>
    tpu.enqueue_dma source(%arg10 : memref<26x64xf32, #tpu.memory_space<vmem>>) target(%dma_start3A_171 : memref<26x64xf32, #tpu.memory_space<hbm>>) target_semaphore(%arg26 : memref<!tpu.dma_semaphore, #tpu.memory_space<semaphore_mem>>)
    %dma_wait3A_172 = arith.constant 0 : i32
    %dma_wait3A_173 = arith.constant 0 : i32
    %dma_wait3A_174 = tpu.memref_slice %arg4[%mul3A_2, %dma_wait3A_172, %dma_wait3A_173] : memref<16384x26x64xf32, #tpu.memory_space<hbm>> -> memref<1x26x64xf32, #tpu.memory_space<hbm>>
    %dma_wait3A_175 = tpu.memref_squeeze %dma_wait3A_174 : memref<1x26x64xf32, #tpu.memory_space<hbm>> -> memref<26x64xf32, #tpu.memory_space<hbm>>
    %dma_wait3A_176 = arith.constant 0 : i32
    %dma_wait3A_177 = arith.constant 0 : i32
    %dma_wait3A_178 = tpu.memref_slice %arg4[%mul3A_2, %dma_wait3A_176, %dma_wait3A_177] : memref<16384x26x64xf32, #tpu.memory_space<hbm>> -> memref<1x26x64xf32, #tpu.memory_space<hbm>>
    %dma_wait3A_179 = tpu.memref_squeeze %dma_wait3A_178 : memref<1x26x64xf32, #tpu.memory_space<hbm>> -> memref<26x64xf32, #tpu.memory_space<hbm>>
    tpu.wait_dma2 semaphore(%arg24 : memref<!tpu.dma_semaphore, #tpu.memory_space<semaphore_mem>>) src(%arg8 : memref<26x64xf32, #tpu.memory_space<vmem>>) dst(%dma_wait3A_179 : memref<26x64xf32, #tpu.memory_space<hbm>>)
    %dma_start3A_180 = arith.constant 10 : i32
    %dma_start3A_181 = arith.constant 0 : i32
    %dma_start3A_182 = tpu.memref_slice %arg5[%dma_start3A_180, %dma_start3A_181] : memref<512x26xi32, #tpu.memory_space<vmem>> -> memref<1x26xi32, #tpu.memory_space<vmem>>
    %dma_start3A_183 = tpu.memref_squeeze %dma_start3A_182 : memref<1x26xi32, #tpu.memory_space<vmem>> -> memref<26xi32, #tpu.memory_space<vmem>>
    %dma_start3A_184 = arith.constant 0 : i32
    %dma_start3A_185 = arith.constant 0 : i32
    %dma_start3A_186 = tpu.memref_slice %arg3[%dma_start3A_184, %dma_start3A_185] : memref<2000000x64xf32, #tpu.memory_space<hbm>> -> memref<2000000x64xf32, #tpu.memory_space<hbm>>
    tpu.enqueue_indirect_dma source(%dma_start3A_186 : memref<2000000x64xf32, #tpu.memory_space<hbm>>) target(%arg8 : memref<26x64xf32, #tpu.memory_space<vmem>>) offsets(%dma_start3A_183 : memref<26xi32, #tpu.memory_space<vmem>>) semaphore(%arg16 : memref<!tpu.dma_semaphore, #tpu.memory_space<semaphore_mem>>)
    %dma_wait3A_187 = arith.constant 0 : i32
    %dma_wait3A_188 = arith.constant 0 : i32
    %dma_wait3A_189 = tpu.memref_slice %arg5[%dma_wait3A_187, %dma_wait3A_188] : memref<512x26xi32, #tpu.memory_space<vmem>> -> memref<1x26xi32, #tpu.memory_space<vmem>>
    %dma_wait3A_190 = tpu.memref_squeeze %dma_wait3A_189 : memref<1x26xi32, #tpu.memory_space<vmem>> -> memref<26xi32, #tpu.memory_space<vmem>>
    %dma_wait3A_191 = arith.constant 0 : i32
    %dma_wait3A_192 = arith.constant 0 : i32
    %dma_wait3A_193 = tpu.memref_slice %arg3[%dma_wait3A_191, %dma_wait3A_192] : memref<2000000x64xf32, #tpu.memory_space<hbm>> -> memref<2000000x64xf32, #tpu.memory_space<hbm>>
    tpu.wait_indirect_dma semaphore(%arg19 : memref<!tpu.dma_semaphore, #tpu.memory_space<semaphore_mem>>) src(%dma_wait3A_193 : memref<2000000x64xf32, #tpu.memory_space<hbm>>) dst(%arg11 : memref<26x64xf32, #tpu.memory_space<vmem>>)
    %add3A_194 = arith.constant 5 : i32
    %add3A_195 = arith.addi %mul3A_2, %add3A_194 : i32
    %dma_start3A_196 = arith.constant 0 : i32
    %dma_start3A_197 = arith.constant 0 : i32
    %dma_start3A_198 = tpu.memref_slice %arg4[%add3A_195, %dma_start3A_196, %dma_start3A_197] : memref<16384x26x64xf32, #tpu.memory_space<hbm>> -> memref<1x26x64xf32, #tpu.memory_space<hbm>>
    %dma_start3A_199 = tpu.memref_squeeze %dma_start3A_198 : memref<1x26x64xf32, #tpu.memory_space<hbm>> -> memref<26x64xf32, #tpu.memory_space<hbm>>
    %dma_start3A_200 = arith.constant 0 : i32
    %dma_start3A_201 = arith.constant 0 : i32
    %dma_start3A_202 = tpu.memref_slice %arg4[%add3A_195, %dma_start3A_200, %dma_start3A_201] : memref<16384x26x64xf32, #tpu.memory_space<hbm>> -> memref<1x26x64xf32, #tpu.memory_space<hbm>>
    %dma_start3A_203 = tpu.memref_squeeze %dma_start3A_202 : memref<1x26x64xf32, #tpu.memory_space<hbm>> -> memref<26x64xf32, #tpu.memory_space<hbm>>
    tpu.enqueue_dma source(%arg11 : memref<26x64xf32, #tpu.memory_space<vmem>>) target(%dma_start3A_203 : memref<26x64xf32, #tpu.memory_space<hbm>>) target_semaphore(%arg27 : memref<!tpu.dma_semaphore, #tpu.memory_space<semaphore_mem>>)
    %dma_wait3A_204 = arith.constant 0 : i32
    %dma_wait3A_205 = arith.constant 0 : i32
    %dma_wait3A_206 = tpu.memref_slice %arg4[%mul3A_2, %dma_wait3A_204, %dma_wait3A_205] : memref<16384x26x64xf32, #tpu.memory_space<hbm>> -> memref<1x26x64xf32, #tpu.memory_space<hbm>>
    %dma_wait3A_207 = tpu.memref_squeeze %dma_wait3A_206 : memref<1x26x64xf32, #tpu.memory_space<hbm>> -> memref<26x64xf32, #tpu.memory_space<hbm>>
    %dma_wait3A_208 = arith.constant 0 : i32
    %dma_wait3A_209 = arith.constant 0 : i32
    %dma_wait3A_210 = tpu.memref_slice %arg4[%mul3A_2, %dma_wait3A_208, %dma_wait3A_209] : memref<16384x26x64xf32, #tpu.memory_space<hbm>> -> memref<1x26x64xf32, #tpu.memory_space<hbm>>
    %dma_wait3A_211 = tpu.memref_squeeze %dma_wait3A_210 : memref<1x26x64xf32, #tpu.memory_space<hbm>> -> memref<26x64xf32, #tpu.memory_space<hbm>>
    tpu.wait_dma2 semaphore(%arg25 : memref<!tpu.dma_semaphore, #tpu.memory_space<semaphore_mem>>) src(%arg9 : memref<26x64xf32, #tpu.memory_space<vmem>>) dst(%dma_wait3A_211 : memref<26x64xf32, #tpu.memory_space<hbm>>)
    %dma_start3A_212 = arith.constant 11 : i32
    %dma_start3A_213 = arith.constant 0 : i32
    %dma_start3A_214 = tpu.memref_slice %arg5[%dma_start3A_212, %dma_start3A_213] : memref<512x26xi32, #tpu.memory_space<vmem>> -> memref<1x26xi32, #tpu.memory_space<vmem>>
    %dma_start3A_215 = tpu.memref_squeeze %dma_start3A_214 : memref<1x26xi32, #tpu.memory_space<vmem>> -> memref<26xi32, #tpu.memory_space<vmem>>
    %dma_start3A_216 = arith.constant 0 : i32
    %dma_start3A_217 = arith.constant 0 : i32
    %dma_start3A_218 = tpu.memref_slice %arg3[%dma_start3A_216, %dma_start3A_217] : memref<2000000x64xf32, #tpu.memory_space<hbm>> -> memref<2000000x64xf32, #tpu.memory_space<hbm>>
    tpu.enqueue_indirect_dma source(%dma_start3A_218 : memref<2000000x64xf32, #tpu.memory_space<hbm>>) target(%arg9 : memref<26x64xf32, #tpu.memory_space<vmem>>) offsets(%dma_start3A_215 : memref<26xi32, #tpu.memory_space<vmem>>) semaphore(%arg17 : memref<!tpu.dma_semaphore, #tpu.memory_space<semaphore_mem>>)
    %dma_wait3A_219 = arith.constant 0 : i32
    %dma_wait3A_220 = arith.constant 0 : i32
    %dma_wait3A_221 = tpu.memref_slice %arg5[%dma_wait3A_219, %dma_wait3A_220] : memref<512x26xi32, #tpu.memory_space<vmem>> -> memref<1x26xi32, #tpu.memory_space<vmem>>
    %dma_wait3A_222 = tpu.memref_squeeze %dma_wait3A_221 : memref<1x26xi32, #tpu.memory_space<vmem>> -> memref<26xi32, #tpu.memory_space<vmem>>
    %dma_wait3A_223 = arith.constant 0 : i32
    %dma_wait3A_224 = arith.constant 0 : i32
    %dma_wait3A_225 = tpu.memref_slice %arg3[%dma_wait3A_223, %dma_wait3A_224] : memref<2000000x64xf32, #tpu.memory_space<hbm>> -> memref<2000000x64xf32, #tpu.memory_space<hbm>>
    tpu.wait_indirect_dma semaphore(%arg20 : memref<!tpu.dma_semaphore, #tpu.memory_space<semaphore_mem>>) src(%dma_wait3A_225 : memref<2000000x64xf32, #tpu.memory_space<hbm>>) dst(%arg12 : memref<26x64xf32, #tpu.memory_space<vmem>>)
    %add3A_226 = arith.constant 6 : i32
    %add3A_227 = arith.addi %mul3A_2, %add3A_226 : i32
    %dma_start3A_228 = arith.constant 0 : i32
    %dma_start3A_229 = arith.constant 0 : i32
    %dma_start3A_230 = tpu.memref_slice %arg4[%add3A_227, %dma_start3A_228, %dma_start3A_229] : memref<16384x26x64xf32, #tpu.memory_space<hbm>> -> memref<1x26x64xf32, #tpu.memory_space<hbm>>
    %dma_start3A_231 = tpu.memref_squeeze %dma_start3A_230 : memref<1x26x64xf32, #tpu.memory_space<hbm>> -> memref<26x64xf32, #tpu.memory_space<hbm>>
    %dma_start3A_232 = arith.constant 0 : i32
    %dma_start3A_233 = arith.constant 0 : i32
    %dma_start3A_234 = tpu.memref_slice %arg4[%add3A_227, %dma_start3A_232, %dma_start3A_233] : memref<16384x26x64xf32, #tpu.memory_space<hbm>> -> memref<1x26x64xf32, #tpu.memory_space<hbm>>
    %dma_start3A_235 = tpu.memref_squeeze %dma_start3A_234 : memref<1x26x64xf32, #tpu.memory_space<hbm>> -> memref<26x64xf32, #tpu.memory_space<hbm>>
    tpu.enqueue_dma source(%arg12 : memref<26x64xf32, #tpu.memory_space<vmem>>) target(%dma_start3A_235 : memref<26x64xf32, #tpu.memory_space<hbm>>) target_semaphore(%arg28 : memref<!tpu.dma_semaphore, #tpu.memory_space<semaphore_mem>>)
    %dma_wait3A_236 = arith.constant 0 : i32
    %dma_wait3A_237 = arith.constant 0 : i32
    %dma_wait3A_238 = tpu.memref_slice %arg4[%mul3A_2, %dma_wait3A_236, %dma_wait3A_237] : memref<16384x26x64xf32, #tpu.memory_space<hbm>> -> memref<1x26x64xf32, #tpu.memory_space<hbm>>
    %dma_wait3A_239 = tpu.memref_squeeze %dma_wait3A_238 : memref<1x26x64xf32, #tpu.memory_space<hbm>> -> memref<26x64xf32, #tpu.memory_space<hbm>>
    %dma_wait3A_240 = arith.constant 0 : i32
    %dma_wait3A_241 = arith.constant 0 : i32
    %dma_wait3A_242 = tpu.memref_slice %arg4[%mul3A_2, %dma_wait3A_240, %dma_wait3A_241] : memref<16384x26x64xf32, #tpu.memory_space<hbm>> -> memref<1x26x64xf32, #tpu.memory_space<hbm>>
    %dma_wait3A_243 = tpu.memref_squeeze %dma_wait3A_242 : memref<1x26x64xf32, #tpu.memory_space<hbm>> -> memref<26x64xf32, #tpu.memory_space<hbm>>
    tpu.wait_dma2 semaphore(%arg26 : memref<!tpu.dma_semaphore, #tpu.memory_space<semaphore_mem>>) src(%arg10 : memref<26x64xf32, #tpu.memory_space<vmem>>) dst(%dma_wait3A_243 : memref<26x64xf32, #tpu.memory_space<hbm>>)
    %dma_start3A_244 = arith.constant 12 : i32
    %dma_start3A_245 = arith.constant 0 : i32
    %dma_start3A_246 = tpu.memref_slice %arg5[%dma_start3A_244, %dma_start3A_245] : memref<512x26xi32, #tpu.memory_space<vmem>> -> memref<1x26xi32, #tpu.memory_space<vmem>>
    %dma_start3A_247 = tpu.memref_squeeze %dma_start3A_246 : memref<1x26xi32, #tpu.memory_space<vmem>> -> memref<26xi32, #tpu.memory_space<vmem>>
    %dma_start3A_248 = arith.constant 0 : i32
    %dma_start3A_249 = arith.constant 0 : i32
    %dma_start3A_250 = tpu.memref_slice %arg3[%dma_start3A_248, %dma_start3A_249] : memref<2000000x64xf32, #tpu.memory_space<hbm>> -> memref<2000000x64xf32, #tpu.memory_space<hbm>>
    tpu.enqueue_indirect_dma source(%dma_start3A_250 : memref<2000000x64xf32, #tpu.memory_space<hbm>>) target(%arg10 : memref<26x64xf32, #tpu.memory_space<vmem>>) offsets(%dma_start3A_247 : memref<26xi32, #tpu.memory_space<vmem>>) semaphore(%arg18 : memref<!tpu.dma_semaphore, #tpu.memory_space<semaphore_mem>>)
    %dma_wait3A_251 = arith.constant 0 : i32
    %dma_wait3A_252 = arith.constant 0 : i32
    %dma_wait3A_253 = tpu.memref_slice %arg5[%dma_wait3A_251, %dma_wait3A_252] : memref<512x26xi32, #tpu.memory_space<vmem>> -> memref<1x26xi32, #tpu.memory_space<vmem>>
    %dma_wait3A_254 = tpu.memref_squeeze %dma_wait3A_253 : memref<1x26xi32, #tpu.memory_space<vmem>> -> memref<26xi32, #tpu.memory_space<vmem>>
    %dma_wait3A_255 = arith.constant 0 : i32
    %dma_wait3A_256 = arith.constant 0 : i32
    %dma_wait3A_257 = tpu.memref_slice %arg3[%dma_wait3A_255, %dma_wait3A_256] : memref<2000000x64xf32, #tpu.memory_space<hbm>> -> memref<2000000x64xf32, #tpu.memory_space<hbm>>
    tpu.wait_indirect_dma semaphore(%arg21 : memref<!tpu.dma_semaphore, #tpu.memory_space<semaphore_mem>>) src(%dma_wait3A_257 : memref<2000000x64xf32, #tpu.memory_space<hbm>>) dst(%arg13 : memref<26x64xf32, #tpu.memory_space<vmem>>)
    %add3A_258 = arith.constant 7 : i32
    %add3A_259 = arith.addi %mul3A_2, %add3A_258 : i32
    %dma_start3A_260 = arith.constant 0 : i32
    %dma_start3A_261 = arith.constant 0 : i32
    %dma_start3A_262 = tpu.memref_slice %arg4[%add3A_259, %dma_start3A_260, %dma_start3A_261] : memref<16384x26x64xf32, #tpu.memory_space<hbm>> -> memref<1x26x64xf32, #tpu.memory_space<hbm>>
    %dma_start3A_263 = tpu.memref_squeeze %dma_start3A_262 : memref<1x26x64xf32, #tpu.memory_space<hbm>> -> memref<26x64xf32, #tpu.memory_space<hbm>>
    %dma_start3A_264 = arith.constant 0 : i32
    %dma_start3A_265 = arith.constant 0 : i32
    %dma_start3A_266 = tpu.memref_slice %arg4[%add3A_259, %dma_start3A_264, %dma_start3A_265] : memref<16384x26x64xf32, #tpu.memory_space<hbm>> -> memref<1x26x64xf32, #tpu.memory_space<hbm>>
    %dma_start3A_267 = tpu.memref_squeeze %dma_start3A_266 : memref<1x26x64xf32, #tpu.memory_space<hbm>> -> memref<26x64xf32, #tpu.memory_space<hbm>>
    tpu.enqueue_dma source(%arg13 : memref<26x64xf32, #tpu.memory_space<vmem>>) target(%dma_start3A_267 : memref<26x64xf32, #tpu.memory_space<hbm>>) target_semaphore(%arg29 : memref<!tpu.dma_semaphore, #tpu.memory_space<semaphore_mem>>)
    %dma_wait3A_268 = arith.constant 0 : i32
    %dma_wait3A_269 = arith.constant 0 : i32
    %dma_wait3A_270 = tpu.memref_slice %arg4[%mul3A_2, %dma_wait3A_268, %dma_wait3A_269] : memref<16384x26x64xf32, #tpu.memory_space<hbm>> -> memref<1x26x64xf32, #tpu.memory_space<hbm>>
    %dma_wait3A_271 = tpu.memref_squeeze %dma_wait3A_270 : memref<1x26x64xf32, #tpu.memory_space<hbm>> -> memref<26x64xf32, #tpu.memory_space<hbm>>
    %dma_wait3A_272 = arith.constant 0 : i32
    %dma_wait3A_273 = arith.constant 0 : i32
    %dma_wait3A_274 = tpu.memref_slice %arg4[%mul3A_2, %dma_wait3A_272, %dma_wait3A_273] : memref<16384x26x64xf32, #tpu.memory_space<hbm>> -> memref<1x26x64xf32, #tpu.memory_space<hbm>>
    %dma_wait3A_275 = tpu.memref_squeeze %dma_wait3A_274 : memref<1x26x64xf32, #tpu.memory_space<hbm>> -> memref<26x64xf32, #tpu.memory_space<hbm>>
    tpu.wait_dma2 semaphore(%arg27 : memref<!tpu.dma_semaphore, #tpu.memory_space<semaphore_mem>>) src(%arg11 : memref<26x64xf32, #tpu.memory_space<vmem>>) dst(%dma_wait3A_275 : memref<26x64xf32, #tpu.memory_space<hbm>>)
    %dma_start3A_276 = arith.constant 13 : i32
    %dma_start3A_277 = arith.constant 0 : i32
    %dma_start3A_278 = tpu.memref_slice %arg5[%dma_start3A_276, %dma_start3A_277] : memref<512x26xi32, #tpu.memory_space<vmem>> -> memref<1x26xi32, #tpu.memory_space<vmem>>
    %dma_start3A_279 = tpu.memref_squeeze %dma_start3A_278 : memref<1x26xi32, #tpu.memory_space<vmem>> -> memref<26xi32, #tpu.memory_space<vmem>>
    %dma_start3A_280 = arith.constant 0 : i32
    %dma_start3A_281 = arith.constant 0 : i32
    %dma_start3A_282 = tpu.memref_slice %arg3[%dma_start3A_280, %dma_start3A_281] : memref<2000000x64xf32, #tpu.memory_space<hbm>> -> memref<2000000x64xf32, #tpu.memory_space<hbm>>
    tpu.enqueue_indirect_dma source(%dma_start3A_282 : memref<2000000x64xf32, #tpu.memory_space<hbm>>) target(%arg11 : memref<26x64xf32, #tpu.memory_space<vmem>>) offsets(%dma_start3A_279 : memref<26xi32, #tpu.memory_space<vmem>>) semaphore(%arg19 : memref<!tpu.dma_semaphore, #tpu.memory_space<semaphore_mem>>)
    %scan3A = arith.constant 0 : i32
    %scan3A_283 = arith.constant 1 : i32
    %scan3A_284 = arith.constant 62 : i32
    %scan3A_285 = arith.addi %scan3A_283, %scan3A_284 : i32
    %scan3A_286 = arith.constant 1 : i32
    scf.for %scan3A_518 = %scan3A_283 to %scan3A_285 step %scan3A_286  : i32 {
      %mul3A_519 = arith.constant 8 : i32
      %mul3A_520 = arith.muli %scan3A_518, %mul3A_519 : i32
      %add3A_521 = arith.constant 0 : i32
      %add3A_522 = arith.addi %mul3A_520, %add3A_521 : i32
      %dma_wait3A_523 = arith.constant 0 : i32
      %dma_wait3A_524 = arith.constant 0 : i32
      %dma_wait3A_525 = tpu.memref_slice %arg5[%dma_wait3A_523, %dma_wait3A_524] : memref<512x26xi32, #tpu.memory_space<vmem>> -> memref<1x26xi32, #tpu.memory_space<vmem>>
      %dma_wait3A_526 = tpu.memref_squeeze %dma_wait3A_525 : memref<1x26xi32, #tpu.memory_space<vmem>> -> memref<26xi32, #tpu.memory_space<vmem>>
      %dma_wait3A_527 = arith.constant 0 : i32
      %dma_wait3A_528 = arith.constant 0 : i32
      %dma_wait3A_529 = tpu.memref_slice %arg3[%dma_wait3A_527, %dma_wait3A_528] : memref<2000000x64xf32, #tpu.memory_space<hbm>> -> memref<2000000x64xf32, #tpu.memory_space<hbm>>
      tpu.wait_indirect_dma semaphore(%arg14 : memref<!tpu.dma_semaphore, #tpu.memory_space<semaphore_mem>>) src(%dma_wait3A_529 : memref<2000000x64xf32, #tpu.memory_space<hbm>>) dst(%arg6 : memref<26x64xf32, #tpu.memory_space<vmem>>)
      %add3A_530 = arith.addi %mul3A_2, %add3A_522 : i32
      %dma_start3A_531 = arith.constant 0 : i32
      %dma_start3A_532 = arith.constant 0 : i32
      %dma_start3A_533 = tpu.memref_slice %arg4[%add3A_530, %dma_start3A_531, %dma_start3A_532] : memref<16384x26x64xf32, #tpu.memory_space<hbm>> -> memref<1x26x64xf32, #tpu.memory_space<hbm>>
      %dma_start3A_534 = tpu.memref_squeeze %dma_start3A_533 : memref<1x26x64xf32, #tpu.memory_space<hbm>> -> memref<26x64xf32, #tpu.memory_space<hbm>>
      %dma_start3A_535 = arith.constant 0 : i32
      %dma_start3A_536 = arith.constant 0 : i32
      %dma_start3A_537 = tpu.memref_slice %arg4[%add3A_530, %dma_start3A_535, %dma_start3A_536] : memref<16384x26x64xf32, #tpu.memory_space<hbm>> -> memref<1x26x64xf32, #tpu.memory_space<hbm>>
      %dma_start3A_538 = tpu.memref_squeeze %dma_start3A_537 : memref<1x26x64xf32, #tpu.memory_space<hbm>> -> memref<26x64xf32, #tpu.memory_space<hbm>>
      tpu.enqueue_dma source(%arg6 : memref<26x64xf32, #tpu.memory_space<vmem>>) target(%dma_start3A_538 : memref<26x64xf32, #tpu.memory_space<hbm>>) target_semaphore(%arg22 : memref<!tpu.dma_semaphore, #tpu.memory_space<semaphore_mem>>)
      %dma_wait3A_539 = arith.constant 0 : i32
      %dma_wait3A_540 = arith.constant 0 : i32
      %dma_wait3A_541 = tpu.memref_slice %arg4[%mul3A_2, %dma_wait3A_539, %dma_wait3A_540] : memref<16384x26x64xf32, #tpu.memory_space<hbm>> -> memref<1x26x64xf32, #tpu.memory_space<hbm>>
      %dma_wait3A_542 = tpu.memref_squeeze %dma_wait3A_541 : memref<1x26x64xf32, #tpu.memory_space<hbm>> -> memref<26x64xf32, #tpu.memory_space<hbm>>
      %dma_wait3A_543 = arith.constant 0 : i32
      %dma_wait3A_544 = arith.constant 0 : i32
      %dma_wait3A_545 = tpu.memref_slice %arg4[%mul3A_2, %dma_wait3A_543, %dma_wait3A_544] : memref<16384x26x64xf32, #tpu.memory_space<hbm>> -> memref<1x26x64xf32, #tpu.memory_space<hbm>>
      %dma_wait3A_546 = tpu.memref_squeeze %dma_wait3A_545 : memref<1x26x64xf32, #tpu.memory_space<hbm>> -> memref<26x64xf32, #tpu.memory_space<hbm>>
      tpu.wait_dma2 semaphore(%arg28 : memref<!tpu.dma_semaphore, #tpu.memory_space<semaphore_mem>>) src(%arg12 : memref<26x64xf32, #tpu.memory_space<vmem>>) dst(%dma_wait3A_546 : memref<26x64xf32, #tpu.memory_space<hbm>>)
      %add3A_547 = arith.constant 6 : i32
      %add3A_548 = arith.addi %add3A_522, %add3A_547 : i32
      %dma_start3A_549 = arith.constant 0 : i32
      %dma_start3A_550 = tpu.memref_slice %arg5[%add3A_548, %dma_start3A_549] : memref<512x26xi32, #tpu.memory_space<vmem>> -> memref<1x26xi32, #tpu.memory_space<vmem>>
      %dma_start3A_551 = tpu.memref_squeeze %dma_start3A_550 : memref<1x26xi32, #tpu.memory_space<vmem>> -> memref<26xi32, #tpu.memory_space<vmem>>
      %dma_start3A_552 = arith.constant 0 : i32
      %dma_start3A_553 = arith.constant 0 : i32
      %dma_start3A_554 = tpu.memref_slice %arg3[%dma_start3A_552, %dma_start3A_553] : memref<2000000x64xf32, #tpu.memory_space<hbm>> -> memref<2000000x64xf32, #tpu.memory_space<hbm>>
      tpu.enqueue_indirect_dma source(%dma_start3A_554 : memref<2000000x64xf32, #tpu.memory_space<hbm>>) target(%arg12 : memref<26x64xf32, #tpu.memory_space<vmem>>) offsets(%dma_start3A_551 : memref<26xi32, #tpu.memory_space<vmem>>) semaphore(%arg20 : memref<!tpu.dma_semaphore, #tpu.memory_space<semaphore_mem>>)
      %mul3A_555 = arith.constant 8 : i32
      %mul3A_556 = arith.muli %scan3A_518, %mul3A_555 : i32
      %add3A_557 = arith.constant 1 : i32
      %add3A_558 = arith.addi %mul3A_556, %add3A_557 : i32
      %dma_wait3A_559 = arith.constant 0 : i32
      %dma_wait3A_560 = arith.constant 0 : i32
      %dma_wait3A_561 = tpu.memref_slice %arg5[%dma_wait3A_559, %dma_wait3A_560] : memref<512x26xi32, #tpu.memory_space<vmem>> -> memref<1x26xi32, #tpu.memory_space<vmem>>
      %dma_wait3A_562 = tpu.memref_squeeze %dma_wait3A_561 : memref<1x26xi32, #tpu.memory_space<vmem>> -> memref<26xi32, #tpu.memory_space<vmem>>
      %dma_wait3A_563 = arith.constant 0 : i32
      %dma_wait3A_564 = arith.constant 0 : i32
      %dma_wait3A_565 = tpu.memref_slice %arg3[%dma_wait3A_563, %dma_wait3A_564] : memref<2000000x64xf32, #tpu.memory_space<hbm>> -> memref<2000000x64xf32, #tpu.memory_space<hbm>>
      tpu.wait_indirect_dma semaphore(%arg15 : memref<!tpu.dma_semaphore, #tpu.memory_space<semaphore_mem>>) src(%dma_wait3A_565 : memref<2000000x64xf32, #tpu.memory_space<hbm>>) dst(%arg7 : memref<26x64xf32, #tpu.memory_space<vmem>>)
      %add3A_566 = arith.addi %mul3A_2, %add3A_558 : i32
      %dma_start3A_567 = arith.constant 0 : i32
      %dma_start3A_568 = arith.constant 0 : i32
      %dma_start3A_569 = tpu.memref_slice %arg4[%add3A_566, %dma_start3A_567, %dma_start3A_568] : memref<16384x26x64xf32, #tpu.memory_space<hbm>> -> memref<1x26x64xf32, #tpu.memory_space<hbm>>
      %dma_start3A_570 = tpu.memref_squeeze %dma_start3A_569 : memref<1x26x64xf32, #tpu.memory_space<hbm>> -> memref<26x64xf32, #tpu.memory_space<hbm>>
      %dma_start3A_571 = arith.constant 0 : i32
      %dma_start3A_572 = arith.constant 0 : i32
      %dma_start3A_573 = tpu.memref_slice %arg4[%add3A_566, %dma_start3A_571, %dma_start3A_572] : memref<16384x26x64xf32, #tpu.memory_space<hbm>> -> memref<1x26x64xf32, #tpu.memory_space<hbm>>
      %dma_start3A_574 = tpu.memref_squeeze %dma_start3A_573 : memref<1x26x64xf32, #tpu.memory_space<hbm>> -> memref<26x64xf32, #tpu.memory_space<hbm>>
      tpu.enqueue_dma source(%arg7 : memref<26x64xf32, #tpu.memory_space<vmem>>) target(%dma_start3A_574 : memref<26x64xf32, #tpu.memory_space<hbm>>) target_semaphore(%arg23 : memref<!tpu.dma_semaphore, #tpu.memory_space<semaphore_mem>>)
      %dma_wait3A_575 = arith.constant 0 : i32
      %dma_wait3A_576 = arith.constant 0 : i32
      %dma_wait3A_577 = tpu.memref_slice %arg4[%mul3A_2, %dma_wait3A_575, %dma_wait3A_576] : memref<16384x26x64xf32, #tpu.memory_space<hbm>> -> memref<1x26x64xf32, #tpu.memory_space<hbm>>
      %dma_wait3A_578 = tpu.memref_squeeze %dma_wait3A_577 : memref<1x26x64xf32, #tpu.memory_space<hbm>> -> memref<26x64xf32, #tpu.memory_space<hbm>>
      %dma_wait3A_579 = arith.constant 0 : i32
      %dma_wait3A_580 = arith.constant 0 : i32
      %dma_wait3A_581 = tpu.memref_slice %arg4[%mul3A_2, %dma_wait3A_579, %dma_wait3A_580] : memref<16384x26x64xf32, #tpu.memory_space<hbm>> -> memref<1x26x64xf32, #tpu.memory_space<hbm>>
      %dma_wait3A_582 = tpu.memref_squeeze %dma_wait3A_581 : memref<1x26x64xf32, #tpu.memory_space<hbm>> -> memref<26x64xf32, #tpu.memory_space<hbm>>
      tpu.wait_dma2 semaphore(%arg29 : memref<!tpu.dma_semaphore, #tpu.memory_space<semaphore_mem>>) src(%arg13 : memref<26x64xf32, #tpu.memory_space<vmem>>) dst(%dma_wait3A_582 : memref<26x64xf32, #tpu.memory_space<hbm>>)
      %add3A_583 = arith.constant 6 : i32
      %add3A_584 = arith.addi %add3A_558, %add3A_583 : i32
      %dma_start3A_585 = arith.constant 0 : i32
      %dma_start3A_586 = tpu.memref_slice %arg5[%add3A_584, %dma_start3A_585] : memref<512x26xi32, #tpu.memory_space<vmem>> -> memref<1x26xi32, #tpu.memory_space<vmem>>
      %dma_start3A_587 = tpu.memref_squeeze %dma_start3A_586 : memref<1x26xi32, #tpu.memory_space<vmem>> -> memref<26xi32, #tpu.memory_space<vmem>>
      %dma_start3A_588 = arith.constant 0 : i32
      %dma_start3A_589 = arith.constant 0 : i32
      %dma_start3A_590 = tpu.memref_slice %arg3[%dma_start3A_588, %dma_start3A_589] : memref<2000000x64xf32, #tpu.memory_space<hbm>> -> memref<2000000x64xf32, #tpu.memory_space<hbm>>
      tpu.enqueue_indirect_dma source(%dma_start3A_590 : memref<2000000x64xf32, #tpu.memory_space<hbm>>) target(%arg13 : memref<26x64xf32, #tpu.memory_space<vmem>>) offsets(%dma_start3A_587 : memref<26xi32, #tpu.memory_space<vmem>>) semaphore(%arg21 : memref<!tpu.dma_semaphore, #tpu.memory_space<semaphore_mem>>)
      %mul3A_591 = arith.constant 8 : i32
      %mul3A_592 = arith.muli %scan3A_518, %mul3A_591 : i32
      %add3A_593 = arith.constant 2 : i32
      %add3A_594 = arith.addi %mul3A_592, %add3A_593 : i32
      %dma_wait3A_595 = arith.constant 0 : i32
      %dma_wait3A_596 = arith.constant 0 : i32
      %dma_wait3A_597 = tpu.memref_slice %arg5[%dma_wait3A_595, %dma_wait3A_596] : memref<512x26xi32, #tpu.memory_space<vmem>> -> memref<1x26xi32, #tpu.memory_space<vmem>>
      %dma_wait3A_598 = tpu.memref_squeeze %dma_wait3A_597 : memref<1x26xi32, #tpu.memory_space<vmem>> -> memref<26xi32, #tpu.memory_space<vmem>>
      %dma_wait3A_599 = arith.constant 0 : i32
      %dma_wait3A_600 = arith.constant 0 : i32
      %dma_wait3A_601 = tpu.memref_slice %arg3[%dma_wait3A_599, %dma_wait3A_600] : memref<2000000x64xf32, #tpu.memory_space<hbm>> -> memref<2000000x64xf32, #tpu.memory_space<hbm>>
      tpu.wait_indirect_dma semaphore(%arg16 : memref<!tpu.dma_semaphore, #tpu.memory_space<semaphore_mem>>) src(%dma_wait3A_601 : memref<2000000x64xf32, #tpu.memory_space<hbm>>) dst(%arg8 : memref<26x64xf32, #tpu.memory_space<vmem>>)
      %add3A_602 = arith.addi %mul3A_2, %add3A_594 : i32
      %dma_start3A_603 = arith.constant 0 : i32
      %dma_start3A_604 = arith.constant 0 : i32
      %dma_start3A_605 = tpu.memref_slice %arg4[%add3A_602, %dma_start3A_603, %dma_start3A_604] : memref<16384x26x64xf32, #tpu.memory_space<hbm>> -> memref<1x26x64xf32, #tpu.memory_space<hbm>>
      %dma_start3A_606 = tpu.memref_squeeze %dma_start3A_605 : memref<1x26x64xf32, #tpu.memory_space<hbm>> -> memref<26x64xf32, #tpu.memory_space<hbm>>
      %dma_start3A_607 = arith.constant 0 : i32
      %dma_start3A_608 = arith.constant 0 : i32
      %dma_start3A_609 = tpu.memref_slice %arg4[%add3A_602, %dma_start3A_607, %dma_start3A_608] : memref<16384x26x64xf32, #tpu.memory_space<hbm>> -> memref<1x26x64xf32, #tpu.memory_space<hbm>>
      %dma_start3A_610 = tpu.memref_squeeze %dma_start3A_609 : memref<1x26x64xf32, #tpu.memory_space<hbm>> -> memref<26x64xf32, #tpu.memory_space<hbm>>
      tpu.enqueue_dma source(%arg8 : memref<26x64xf32, #tpu.memory_space<vmem>>) target(%dma_start3A_610 : memref<26x64xf32, #tpu.memory_space<hbm>>) target_semaphore(%arg24 : memref<!tpu.dma_semaphore, #tpu.memory_space<semaphore_mem>>)
      %dma_wait3A_611 = arith.constant 0 : i32
      %dma_wait3A_612 = arith.constant 0 : i32
      %dma_wait3A_613 = tpu.memref_slice %arg4[%mul3A_2, %dma_wait3A_611, %dma_wait3A_612] : memref<16384x26x64xf32, #tpu.memory_space<hbm>> -> memref<1x26x64xf32, #tpu.memory_space<hbm>>
      %dma_wait3A_614 = tpu.memref_squeeze %dma_wait3A_613 : memref<1x26x64xf32, #tpu.memory_space<hbm>> -> memref<26x64xf32, #tpu.memory_space<hbm>>
      %dma_wait3A_615 = arith.constant 0 : i32
      %dma_wait3A_616 = arith.constant 0 : i32
      %dma_wait3A_617 = tpu.memref_slice %arg4[%mul3A_2, %dma_wait3A_615, %dma_wait3A_616] : memref<16384x26x64xf32, #tpu.memory_space<hbm>> -> memref<1x26x64xf32, #tpu.memory_space<hbm>>
      %dma_wait3A_618 = tpu.memref_squeeze %dma_wait3A_617 : memref<1x26x64xf32, #tpu.memory_space<hbm>> -> memref<26x64xf32, #tpu.memory_space<hbm>>
      tpu.wait_dma2 semaphore(%arg22 : memref<!tpu.dma_semaphore, #tpu.memory_space<semaphore_mem>>) src(%arg6 : memref<26x64xf32, #tpu.memory_space<vmem>>) dst(%dma_wait3A_618 : memref<26x64xf32, #tpu.memory_space<hbm>>)
      %add3A_619 = arith.constant 6 : i32
      %add3A_620 = arith.addi %add3A_594, %add3A_619 : i32
      %dma_start3A_621 = arith.constant 0 : i32
      %dma_start3A_622 = tpu.memref_slice %arg5[%add3A_620, %dma_start3A_621] : memref<512x26xi32, #tpu.memory_space<vmem>> -> memref<1x26xi32, #tpu.memory_space<vmem>>
      %dma_start3A_623 = tpu.memref_squeeze %dma_start3A_622 : memref<1x26xi32, #tpu.memory_space<vmem>> -> memref<26xi32, #tpu.memory_space<vmem>>
      %dma_start3A_624 = arith.constant 0 : i32
      %dma_start3A_625 = arith.constant 0 : i32
      %dma_start3A_626 = tpu.memref_slice %arg3[%dma_start3A_624, %dma_start3A_625] : memref<2000000x64xf32, #tpu.memory_space<hbm>> -> memref<2000000x64xf32, #tpu.memory_space<hbm>>
      tpu.enqueue_indirect_dma source(%dma_start3A_626 : memref<2000000x64xf32, #tpu.memory_space<hbm>>) target(%arg6 : memref<26x64xf32, #tpu.memory_space<vmem>>) offsets(%dma_start3A_623 : memref<26xi32, #tpu.memory_space<vmem>>) semaphore(%arg14 : memref<!tpu.dma_semaphore, #tpu.memory_space<semaphore_mem>>)
      %mul3A_627 = arith.constant 8 : i32
      %mul3A_628 = arith.muli %scan3A_518, %mul3A_627 : i32
      %add3A_629 = arith.constant 3 : i32
      %add3A_630 = arith.addi %mul3A_628, %add3A_629 : i32
      %dma_wait3A_631 = arith.constant 0 : i32
      %dma_wait3A_632 = arith.constant 0 : i32
      %dma_wait3A_633 = tpu.memref_slice %arg5[%dma_wait3A_631, %dma_wait3A_632] : memref<512x26xi32, #tpu.memory_space<vmem>> -> memref<1x26xi32, #tpu.memory_space<vmem>>
      %dma_wait3A_634 = tpu.memref_squeeze %dma_wait3A_633 : memref<1x26xi32, #tpu.memory_space<vmem>> -> memref<26xi32, #tpu.memory_space<vmem>>
      %dma_wait3A_635 = arith.constant 0 : i32
      %dma_wait3A_636 = arith.constant 0 : i32
      %dma_wait3A_637 = tpu.memref_slice %arg3[%dma_wait3A_635, %dma_wait3A_636] : memref<2000000x64xf32, #tpu.memory_space<hbm>> -> memref<2000000x64xf32, #tpu.memory_space<hbm>>
      tpu.wait_indirect_dma semaphore(%arg17 : memref<!tpu.dma_semaphore, #tpu.memory_space<semaphore_mem>>) src(%dma_wait3A_637 : memref<2000000x64xf32, #tpu.memory_space<hbm>>) dst(%arg9 : memref<26x64xf32, #tpu.memory_space<vmem>>)
      %add3A_638 = arith.addi %mul3A_2, %add3A_630 : i32
      %dma_start3A_639 = arith.constant 0 : i32
      %dma_start3A_640 = arith.constant 0 : i32
      %dma_start3A_641 = tpu.memref_slice %arg4[%add3A_638, %dma_start3A_639, %dma_start3A_640] : memref<16384x26x64xf32, #tpu.memory_space<hbm>> -> memref<1x26x64xf32, #tpu.memory_space<hbm>>
      %dma_start3A_642 = tpu.memref_squeeze %dma_start3A_641 : memref<1x26x64xf32, #tpu.memory_space<hbm>> -> memref<26x64xf32, #tpu.memory_space<hbm>>
      %dma_start3A_643 = arith.constant 0 : i32
      %dma_start3A_644 = arith.constant 0 : i32
      %dma_start3A_645 = tpu.memref_slice %arg4[%add3A_638, %dma_start3A_643, %dma_start3A_644] : memref<16384x26x64xf32, #tpu.memory_space<hbm>> -> memref<1x26x64xf32, #tpu.memory_space<hbm>>
      %dma_start3A_646 = tpu.memref_squeeze %dma_start3A_645 : memref<1x26x64xf32, #tpu.memory_space<hbm>> -> memref<26x64xf32, #tpu.memory_space<hbm>>
      tpu.enqueue_dma source(%arg9 : memref<26x64xf32, #tpu.memory_space<vmem>>) target(%dma_start3A_646 : memref<26x64xf32, #tpu.memory_space<hbm>>) target_semaphore(%arg25 : memref<!tpu.dma_semaphore, #tpu.memory_space<semaphore_mem>>)
      %dma_wait3A_647 = arith.constant 0 : i32
      %dma_wait3A_648 = arith.constant 0 : i32
      %dma_wait3A_649 = tpu.memref_slice %arg4[%mul3A_2, %dma_wait3A_647, %dma_wait3A_648] : memref<16384x26x64xf32, #tpu.memory_space<hbm>> -> memref<1x26x64xf32, #tpu.memory_space<hbm>>
      %dma_wait3A_650 = tpu.memref_squeeze %dma_wait3A_649 : memref<1x26x64xf32, #tpu.memory_space<hbm>> -> memref<26x64xf32, #tpu.memory_space<hbm>>
      %dma_wait3A_651 = arith.constant 0 : i32
      %dma_wait3A_652 = arith.constant 0 : i32
      %dma_wait3A_653 = tpu.memref_slice %arg4[%mul3A_2, %dma_wait3A_651, %dma_wait3A_652] : memref<16384x26x64xf32, #tpu.memory_space<hbm>> -> memref<1x26x64xf32, #tpu.memory_space<hbm>>
      %dma_wait3A_654 = tpu.memref_squeeze %dma_wait3A_653 : memref<1x26x64xf32, #tpu.memory_space<hbm>> -> memref<26x64xf32, #tpu.memory_space<hbm>>
      tpu.wait_dma2 semaphore(%arg23 : memref<!tpu.dma_semaphore, #tpu.memory_space<semaphore_mem>>) src(%arg7 : memref<26x64xf32, #tpu.memory_space<vmem>>) dst(%dma_wait3A_654 : memref<26x64xf32, #tpu.memory_space<hbm>>)
      %add3A_655 = arith.constant 6 : i32
      %add3A_656 = arith.addi %add3A_630, %add3A_655 : i32
      %dma_start3A_657 = arith.constant 0 : i32
      %dma_start3A_658 = tpu.memref_slice %arg5[%add3A_656, %dma_start3A_657] : memref<512x26xi32, #tpu.memory_space<vmem>> -> memref<1x26xi32, #tpu.memory_space<vmem>>
      %dma_start3A_659 = tpu.memref_squeeze %dma_start3A_658 : memref<1x26xi32, #tpu.memory_space<vmem>> -> memref<26xi32, #tpu.memory_space<vmem>>
      %dma_start3A_660 = arith.constant 0 : i32
      %dma_start3A_661 = arith.constant 0 : i32
      %dma_start3A_662 = tpu.memref_slice %arg3[%dma_start3A_660, %dma_start3A_661] : memref<2000000x64xf32, #tpu.memory_space<hbm>> -> memref<2000000x64xf32, #tpu.memory_space<hbm>>
      tpu.enqueue_indirect_dma source(%dma_start3A_662 : memref<2000000x64xf32, #tpu.memory_space<hbm>>) target(%arg7 : memref<26x64xf32, #tpu.memory_space<vmem>>) offsets(%dma_start3A_659 : memref<26xi32, #tpu.memory_space<vmem>>) semaphore(%arg15 : memref<!tpu.dma_semaphore, #tpu.memory_space<semaphore_mem>>)
      %mul3A_663 = arith.constant 8 : i32
      %mul3A_664 = arith.muli %scan3A_518, %mul3A_663 : i32
      %add3A_665 = arith.constant 4 : i32
      %add3A_666 = arith.addi %mul3A_664, %add3A_665 : i32
      %dma_wait3A_667 = arith.constant 0 : i32
      %dma_wait3A_668 = arith.constant 0 : i32
      %dma_wait3A_669 = tpu.memref_slice %arg5[%dma_wait3A_667, %dma_wait3A_668] : memref<512x26xi32, #tpu.memory_space<vmem>> -> memref<1x26xi32, #tpu.memory_space<vmem>>
      %dma_wait3A_670 = tpu.memref_squeeze %dma_wait3A_669 : memref<1x26xi32, #tpu.memory_space<vmem>> -> memref<26xi32, #tpu.memory_space<vmem>>
      %dma_wait3A_671 = arith.constant 0 : i32
      %dma_wait3A_672 = arith.constant 0 : i32
      %dma_wait3A_673 = tpu.memref_slice %arg3[%dma_wait3A_671, %dma_wait3A_672] : memref<2000000x64xf32, #tpu.memory_space<hbm>> -> memref<2000000x64xf32, #tpu.memory_space<hbm>>
      tpu.wait_indirect_dma semaphore(%arg18 : memref<!tpu.dma_semaphore, #tpu.memory_space<semaphore_mem>>) src(%dma_wait3A_673 : memref<2000000x64xf32, #tpu.memory_space<hbm>>) dst(%arg10 : memref<26x64xf32, #tpu.memory_space<vmem>>)
      %add3A_674 = arith.addi %mul3A_2, %add3A_666 : i32
      %dma_start3A_675 = arith.constant 0 : i32
      %dma_start3A_676 = arith.constant 0 : i32
      %dma_start3A_677 = tpu.memref_slice %arg4[%add3A_674, %dma_start3A_675, %dma_start3A_676] : memref<16384x26x64xf32, #tpu.memory_space<hbm>> -> memref<1x26x64xf32, #tpu.memory_space<hbm>>
      %dma_start3A_678 = tpu.memref_squeeze %dma_start3A_677 : memref<1x26x64xf32, #tpu.memory_space<hbm>> -> memref<26x64xf32, #tpu.memory_space<hbm>>
      %dma_start3A_679 = arith.constant 0 : i32
      %dma_start3A_680 = arith.constant 0 : i32
      %dma_start3A_681 = tpu.memref_slice %arg4[%add3A_674, %dma_start3A_679, %dma_start3A_680] : memref<16384x26x64xf32, #tpu.memory_space<hbm>> -> memref<1x26x64xf32, #tpu.memory_space<hbm>>
      %dma_start3A_682 = tpu.memref_squeeze %dma_start3A_681 : memref<1x26x64xf32, #tpu.memory_space<hbm>> -> memref<26x64xf32, #tpu.memory_space<hbm>>
      tpu.enqueue_dma source(%arg10 : memref<26x64xf32, #tpu.memory_space<vmem>>) target(%dma_start3A_682 : memref<26x64xf32, #tpu.memory_space<hbm>>) target_semaphore(%arg26 : memref<!tpu.dma_semaphore, #tpu.memory_space<semaphore_mem>>)
      %dma_wait3A_683 = arith.constant 0 : i32
      %dma_wait3A_684 = arith.constant 0 : i32
      %dma_wait3A_685 = tpu.memref_slice %arg4[%mul3A_2, %dma_wait3A_683, %dma_wait3A_684] : memref<16384x26x64xf32, #tpu.memory_space<hbm>> -> memref<1x26x64xf32, #tpu.memory_space<hbm>>
      %dma_wait3A_686 = tpu.memref_squeeze %dma_wait3A_685 : memref<1x26x64xf32, #tpu.memory_space<hbm>> -> memref<26x64xf32, #tpu.memory_space<hbm>>
      %dma_wait3A_687 = arith.constant 0 : i32
      %dma_wait3A_688 = arith.constant 0 : i32
      %dma_wait3A_689 = tpu.memref_slice %arg4[%mul3A_2, %dma_wait3A_687, %dma_wait3A_688] : memref<16384x26x64xf32, #tpu.memory_space<hbm>> -> memref<1x26x64xf32, #tpu.memory_space<hbm>>
      %dma_wait3A_690 = tpu.memref_squeeze %dma_wait3A_689 : memref<1x26x64xf32, #tpu.memory_space<hbm>> -> memref<26x64xf32, #tpu.memory_space<hbm>>
      tpu.wait_dma2 semaphore(%arg24 : memref<!tpu.dma_semaphore, #tpu.memory_space<semaphore_mem>>) src(%arg8 : memref<26x64xf32, #tpu.memory_space<vmem>>) dst(%dma_wait3A_690 : memref<26x64xf32, #tpu.memory_space<hbm>>)
      %add3A_691 = arith.constant 6 : i32
      %add3A_692 = arith.addi %add3A_666, %add3A_691 : i32
      %dma_start3A_693 = arith.constant 0 : i32
      %dma_start3A_694 = tpu.memref_slice %arg5[%add3A_692, %dma_start3A_693] : memref<512x26xi32, #tpu.memory_space<vmem>> -> memref<1x26xi32, #tpu.memory_space<vmem>>
      %dma_start3A_695 = tpu.memref_squeeze %dma_start3A_694 : memref<1x26xi32, #tpu.memory_space<vmem>> -> memref<26xi32, #tpu.memory_space<vmem>>
      %dma_start3A_696 = arith.constant 0 : i32
      %dma_start3A_697 = arith.constant 0 : i32
      %dma_start3A_698 = tpu.memref_slice %arg3[%dma_start3A_696, %dma_start3A_697] : memref<2000000x64xf32, #tpu.memory_space<hbm>> -> memref<2000000x64xf32, #tpu.memory_space<hbm>>
      tpu.enqueue_indirect_dma source(%dma_start3A_698 : memref<2000000x64xf32, #tpu.memory_space<hbm>>) target(%arg8 : memref<26x64xf32, #tpu.memory_space<vmem>>) offsets(%dma_start3A_695 : memref<26xi32, #tpu.memory_space<vmem>>) semaphore(%arg16 : memref<!tpu.dma_semaphore, #tpu.memory_space<semaphore_mem>>)
      %mul3A_699 = arith.constant 8 : i32
      %mul3A_700 = arith.muli %scan3A_518, %mul3A_699 : i32
      %add3A_701 = arith.constant 5 : i32
      %add3A_702 = arith.addi %mul3A_700, %add3A_701 : i32
      %dma_wait3A_703 = arith.constant 0 : i32
      %dma_wait3A_704 = arith.constant 0 : i32
      %dma_wait3A_705 = tpu.memref_slice %arg5[%dma_wait3A_703, %dma_wait3A_704] : memref<512x26xi32, #tpu.memory_space<vmem>> -> memref<1x26xi32, #tpu.memory_space<vmem>>
      %dma_wait3A_706 = tpu.memref_squeeze %dma_wait3A_705 : memref<1x26xi32, #tpu.memory_space<vmem>> -> memref<26xi32, #tpu.memory_space<vmem>>
      %dma_wait3A_707 = arith.constant 0 : i32
      %dma_wait3A_708 = arith.constant 0 : i32
      %dma_wait3A_709 = tpu.memref_slice %arg3[%dma_wait3A_707, %dma_wait3A_708] : memref<2000000x64xf32, #tpu.memory_space<hbm>> -> memref<2000000x64xf32, #tpu.memory_space<hbm>>
      tpu.wait_indirect_dma semaphore(%arg19 : memref<!tpu.dma_semaphore, #tpu.memory_space<semaphore_mem>>) src(%dma_wait3A_709 : memref<2000000x64xf32, #tpu.memory_space<hbm>>) dst(%arg11 : memref<26x64xf32, #tpu.memory_space<vmem>>)
      %add3A_710 = arith.addi %mul3A_2, %add3A_702 : i32
      %dma_start3A_711 = arith.constant 0 : i32
      %dma_start3A_712 = arith.constant 0 : i32
      %dma_start3A_713 = tpu.memref_slice %arg4[%add3A_710, %dma_start3A_711, %dma_start3A_712] : memref<16384x26x64xf32, #tpu.memory_space<hbm>> -> memref<1x26x64xf32, #tpu.memory_space<hbm>>
      %dma_start3A_714 = tpu.memref_squeeze %dma_start3A_713 : memref<1x26x64xf32, #tpu.memory_space<hbm>> -> memref<26x64xf32, #tpu.memory_space<hbm>>
      %dma_start3A_715 = arith.constant 0 : i32
      %dma_start3A_716 = arith.constant 0 : i32
      %dma_start3A_717 = tpu.memref_slice %arg4[%add3A_710, %dma_start3A_715, %dma_start3A_716] : memref<16384x26x64xf32, #tpu.memory_space<hbm>> -> memref<1x26x64xf32, #tpu.memory_space<hbm>>
      %dma_start3A_718 = tpu.memref_squeeze %dma_start3A_717 : memref<1x26x64xf32, #tpu.memory_space<hbm>> -> memref<26x64xf32, #tpu.memory_space<hbm>>
      tpu.enqueue_dma source(%arg11 : memref<26x64xf32, #tpu.memory_space<vmem>>) target(%dma_start3A_718 : memref<26x64xf32, #tpu.memory_space<hbm>>) target_semaphore(%arg27 : memref<!tpu.dma_semaphore, #tpu.memory_space<semaphore_mem>>)
      %dma_wait3A_719 = arith.constant 0 : i32
      %dma_wait3A_720 = arith.constant 0 : i32
      %dma_wait3A_721 = tpu.memref_slice %arg4[%mul3A_2, %dma_wait3A_719, %dma_wait3A_720] : memref<16384x26x64xf32, #tpu.memory_space<hbm>> -> memref<1x26x64xf32, #tpu.memory_space<hbm>>
      %dma_wait3A_722 = tpu.memref_squeeze %dma_wait3A_721 : memref<1x26x64xf32, #tpu.memory_space<hbm>> -> memref<26x64xf32, #tpu.memory_space<hbm>>
      %dma_wait3A_723 = arith.constant 0 : i32
      %dma_wait3A_724 = arith.constant 0 : i32
      %dma_wait3A_725 = tpu.memref_slice %arg4[%mul3A_2, %dma_wait3A_723, %dma_wait3A_724] : memref<16384x26x64xf32, #tpu.memory_space<hbm>> -> memref<1x26x64xf32, #tpu.memory_space<hbm>>
      %dma_wait3A_726 = tpu.memref_squeeze %dma_wait3A_725 : memref<1x26x64xf32, #tpu.memory_space<hbm>> -> memref<26x64xf32, #tpu.memory_space<hbm>>
      tpu.wait_dma2 semaphore(%arg25 : memref<!tpu.dma_semaphore, #tpu.memory_space<semaphore_mem>>) src(%arg9 : memref<26x64xf32, #tpu.memory_space<vmem>>) dst(%dma_wait3A_726 : memref<26x64xf32, #tpu.memory_space<hbm>>)
      %add3A_727 = arith.constant 6 : i32
      %add3A_728 = arith.addi %add3A_702, %add3A_727 : i32
      %dma_start3A_729 = arith.constant 0 : i32
      %dma_start3A_730 = tpu.memref_slice %arg5[%add3A_728, %dma_start3A_729] : memref<512x26xi32, #tpu.memory_space<vmem>> -> memref<1x26xi32, #tpu.memory_space<vmem>>
      %dma_start3A_731 = tpu.memref_squeeze %dma_start3A_730 : memref<1x26xi32, #tpu.memory_space<vmem>> -> memref<26xi32, #tpu.memory_space<vmem>>
      %dma_start3A_732 = arith.constant 0 : i32
      %dma_start3A_733 = arith.constant 0 : i32
      %dma_start3A_734 = tpu.memref_slice %arg3[%dma_start3A_732, %dma_start3A_733] : memref<2000000x64xf32, #tpu.memory_space<hbm>> -> memref<2000000x64xf32, #tpu.memory_space<hbm>>
      tpu.enqueue_indirect_dma source(%dma_start3A_734 : memref<2000000x64xf32, #tpu.memory_space<hbm>>) target(%arg9 : memref<26x64xf32, #tpu.memory_space<vmem>>) offsets(%dma_start3A_731 : memref<26xi32, #tpu.memory_space<vmem>>) semaphore(%arg17 : memref<!tpu.dma_semaphore, #tpu.memory_space<semaphore_mem>>)
      %mul3A_735 = arith.constant 8 : i32
      %mul3A_736 = arith.muli %scan3A_518, %mul3A_735 : i32
      %add3A_737 = arith.constant 6 : i32
      %add3A_738 = arith.addi %mul3A_736, %add3A_737 : i32
      %dma_wait3A_739 = arith.constant 0 : i32
      %dma_wait3A_740 = arith.constant 0 : i32
      %dma_wait3A_741 = tpu.memref_slice %arg5[%dma_wait3A_739, %dma_wait3A_740] : memref<512x26xi32, #tpu.memory_space<vmem>> -> memref<1x26xi32, #tpu.memory_space<vmem>>
      %dma_wait3A_742 = tpu.memref_squeeze %dma_wait3A_741 : memref<1x26xi32, #tpu.memory_space<vmem>> -> memref<26xi32, #tpu.memory_space<vmem>>
      %dma_wait3A_743 = arith.constant 0 : i32
      %dma_wait3A_744 = arith.constant 0 : i32
      %dma_wait3A_745 = tpu.memref_slice %arg3[%dma_wait3A_743, %dma_wait3A_744] : memref<2000000x64xf32, #tpu.memory_space<hbm>> -> memref<2000000x64xf32, #tpu.memory_space<hbm>>
      tpu.wait_indirect_dma semaphore(%arg20 : memref<!tpu.dma_semaphore, #tpu.memory_space<semaphore_mem>>) src(%dma_wait3A_745 : memref<2000000x64xf32, #tpu.memory_space<hbm>>) dst(%arg12 : memref<26x64xf32, #tpu.memory_space<vmem>>)
      %add3A_746 = arith.addi %mul3A_2, %add3A_738 : i32
      %dma_start3A_747 = arith.constant 0 : i32
      %dma_start3A_748 = arith.constant 0 : i32
      %dma_start3A_749 = tpu.memref_slice %arg4[%add3A_746, %dma_start3A_747, %dma_start3A_748] : memref<16384x26x64xf32, #tpu.memory_space<hbm>> -> memref<1x26x64xf32, #tpu.memory_space<hbm>>
      %dma_start3A_750 = tpu.memref_squeeze %dma_start3A_749 : memref<1x26x64xf32, #tpu.memory_space<hbm>> -> memref<26x64xf32, #tpu.memory_space<hbm>>
      %dma_start3A_751 = arith.constant 0 : i32
      %dma_start3A_752 = arith.constant 0 : i32
      %dma_start3A_753 = tpu.memref_slice %arg4[%add3A_746, %dma_start3A_751, %dma_start3A_752] : memref<16384x26x64xf32, #tpu.memory_space<hbm>> -> memref<1x26x64xf32, #tpu.memory_space<hbm>>
      %dma_start3A_754 = tpu.memref_squeeze %dma_start3A_753 : memref<1x26x64xf32, #tpu.memory_space<hbm>> -> memref<26x64xf32, #tpu.memory_space<hbm>>
      tpu.enqueue_dma source(%arg12 : memref<26x64xf32, #tpu.memory_space<vmem>>) target(%dma_start3A_754 : memref<26x64xf32, #tpu.memory_space<hbm>>) target_semaphore(%arg28 : memref<!tpu.dma_semaphore, #tpu.memory_space<semaphore_mem>>)
      %dma_wait3A_755 = arith.constant 0 : i32
      %dma_wait3A_756 = arith.constant 0 : i32
      %dma_wait3A_757 = tpu.memref_slice %arg4[%mul3A_2, %dma_wait3A_755, %dma_wait3A_756] : memref<16384x26x64xf32, #tpu.memory_space<hbm>> -> memref<1x26x64xf32, #tpu.memory_space<hbm>>
      %dma_wait3A_758 = tpu.memref_squeeze %dma_wait3A_757 : memref<1x26x64xf32, #tpu.memory_space<hbm>> -> memref<26x64xf32, #tpu.memory_space<hbm>>
      %dma_wait3A_759 = arith.constant 0 : i32
      %dma_wait3A_760 = arith.constant 0 : i32
      %dma_wait3A_761 = tpu.memref_slice %arg4[%mul3A_2, %dma_wait3A_759, %dma_wait3A_760] : memref<16384x26x64xf32, #tpu.memory_space<hbm>> -> memref<1x26x64xf32, #tpu.memory_space<hbm>>
      %dma_wait3A_762 = tpu.memref_squeeze %dma_wait3A_761 : memref<1x26x64xf32, #tpu.memory_space<hbm>> -> memref<26x64xf32, #tpu.memory_space<hbm>>
      tpu.wait_dma2 semaphore(%arg26 : memref<!tpu.dma_semaphore, #tpu.memory_space<semaphore_mem>>) src(%arg10 : memref<26x64xf32, #tpu.memory_space<vmem>>) dst(%dma_wait3A_762 : memref<26x64xf32, #tpu.memory_space<hbm>>)
      %add3A_763 = arith.constant 6 : i32
      %add3A_764 = arith.addi %add3A_738, %add3A_763 : i32
      %dma_start3A_765 = arith.constant 0 : i32
      %dma_start3A_766 = tpu.memref_slice %arg5[%add3A_764, %dma_start3A_765] : memref<512x26xi32, #tpu.memory_space<vmem>> -> memref<1x26xi32, #tpu.memory_space<vmem>>
      %dma_start3A_767 = tpu.memref_squeeze %dma_start3A_766 : memref<1x26xi32, #tpu.memory_space<vmem>> -> memref<26xi32, #tpu.memory_space<vmem>>
      %dma_start3A_768 = arith.constant 0 : i32
      %dma_start3A_769 = arith.constant 0 : i32
      %dma_start3A_770 = tpu.memref_slice %arg3[%dma_start3A_768, %dma_start3A_769] : memref<2000000x64xf32, #tpu.memory_space<hbm>> -> memref<2000000x64xf32, #tpu.memory_space<hbm>>
      tpu.enqueue_indirect_dma source(%dma_start3A_770 : memref<2000000x64xf32, #tpu.memory_space<hbm>>) target(%arg10 : memref<26x64xf32, #tpu.memory_space<vmem>>) offsets(%dma_start3A_767 : memref<26xi32, #tpu.memory_space<vmem>>) semaphore(%arg18 : memref<!tpu.dma_semaphore, #tpu.memory_space<semaphore_mem>>)
      %mul3A_771 = arith.constant 8 : i32
      %mul3A_772 = arith.muli %scan3A_518, %mul3A_771 : i32
      %add3A_773 = arith.constant 7 : i32
      %add3A_774 = arith.addi %mul3A_772, %add3A_773 : i32
      %dma_wait3A_775 = arith.constant 0 : i32
      %dma_wait3A_776 = arith.constant 0 : i32
      %dma_wait3A_777 = tpu.memref_slice %arg5[%dma_wait3A_775, %dma_wait3A_776] : memref<512x26xi32, #tpu.memory_space<vmem>> -> memref<1x26xi32, #tpu.memory_space<vmem>>
      %dma_wait3A_778 = tpu.memref_squeeze %dma_wait3A_777 : memref<1x26xi32, #tpu.memory_space<vmem>> -> memref<26xi32, #tpu.memory_space<vmem>>
      %dma_wait3A_779 = arith.constant 0 : i32
      %dma_wait3A_780 = arith.constant 0 : i32
      %dma_wait3A_781 = tpu.memref_slice %arg3[%dma_wait3A_779, %dma_wait3A_780] : memref<2000000x64xf32, #tpu.memory_space<hbm>> -> memref<2000000x64xf32, #tpu.memory_space<hbm>>
      tpu.wait_indirect_dma semaphore(%arg21 : memref<!tpu.dma_semaphore, #tpu.memory_space<semaphore_mem>>) src(%dma_wait3A_781 : memref<2000000x64xf32, #tpu.memory_space<hbm>>) dst(%arg13 : memref<26x64xf32, #tpu.memory_space<vmem>>)
      %add3A_782 = arith.addi %mul3A_2, %add3A_774 : i32
      %dma_start3A_783 = arith.constant 0 : i32
      %dma_start3A_784 = arith.constant 0 : i32
      %dma_start3A_785 = tpu.memref_slice %arg4[%add3A_782, %dma_start3A_783, %dma_start3A_784] : memref<16384x26x64xf32, #tpu.memory_space<hbm>> -> memref<1x26x64xf32, #tpu.memory_space<hbm>>
      %dma_start3A_786 = tpu.memref_squeeze %dma_start3A_785 : memref<1x26x64xf32, #tpu.memory_space<hbm>> -> memref<26x64xf32, #tpu.memory_space<hbm>>
      %dma_start3A_787 = arith.constant 0 : i32
      %dma_start3A_788 = arith.constant 0 : i32
      %dma_start3A_789 = tpu.memref_slice %arg4[%add3A_782, %dma_start3A_787, %dma_start3A_788] : memref<16384x26x64xf32, #tpu.memory_space<hbm>> -> memref<1x26x64xf32, #tpu.memory_space<hbm>>
      %dma_start3A_790 = tpu.memref_squeeze %dma_start3A_789 : memref<1x26x64xf32, #tpu.memory_space<hbm>> -> memref<26x64xf32, #tpu.memory_space<hbm>>
      tpu.enqueue_dma source(%arg13 : memref<26x64xf32, #tpu.memory_space<vmem>>) target(%dma_start3A_790 : memref<26x64xf32, #tpu.memory_space<hbm>>) target_semaphore(%arg29 : memref<!tpu.dma_semaphore, #tpu.memory_space<semaphore_mem>>)
      %dma_wait3A_791 = arith.constant 0 : i32
      %dma_wait3A_792 = arith.constant 0 : i32
      %dma_wait3A_793 = tpu.memref_slice %arg4[%mul3A_2, %dma_wait3A_791, %dma_wait3A_792] : memref<16384x26x64xf32, #tpu.memory_space<hbm>> -> memref<1x26x64xf32, #tpu.memory_space<hbm>>
      %dma_wait3A_794 = tpu.memref_squeeze %dma_wait3A_793 : memref<1x26x64xf32, #tpu.memory_space<hbm>> -> memref<26x64xf32, #tpu.memory_space<hbm>>
      %dma_wait3A_795 = arith.constant 0 : i32
      %dma_wait3A_796 = arith.constant 0 : i32
      %dma_wait3A_797 = tpu.memref_slice %arg4[%mul3A_2, %dma_wait3A_795, %dma_wait3A_796] : memref<16384x26x64xf32, #tpu.memory_space<hbm>> -> memref<1x26x64xf32, #tpu.memory_space<hbm>>
      %dma_wait3A_798 = tpu.memref_squeeze %dma_wait3A_797 : memref<1x26x64xf32, #tpu.memory_space<hbm>> -> memref<26x64xf32, #tpu.memory_space<hbm>>
      tpu.wait_dma2 semaphore(%arg27 : memref<!tpu.dma_semaphore, #tpu.memory_space<semaphore_mem>>) src(%arg11 : memref<26x64xf32, #tpu.memory_space<vmem>>) dst(%dma_wait3A_798 : memref<26x64xf32, #tpu.memory_space<hbm>>)
      %add3A_799 = arith.constant 6 : i32
      %add3A_800 = arith.addi %add3A_774, %add3A_799 : i32
      %dma_start3A_801 = arith.constant 0 : i32
      %dma_start3A_802 = tpu.memref_slice %arg5[%add3A_800, %dma_start3A_801] : memref<512x26xi32, #tpu.memory_space<vmem>> -> memref<1x26xi32, #tpu.memory_space<vmem>>
      %dma_start3A_803 = tpu.memref_squeeze %dma_start3A_802 : memref<1x26xi32, #tpu.memory_space<vmem>> -> memref<26xi32, #tpu.memory_space<vmem>>
      %dma_start3A_804 = arith.constant 0 : i32
      %dma_start3A_805 = arith.constant 0 : i32
      %dma_start3A_806 = tpu.memref_slice %arg3[%dma_start3A_804, %dma_start3A_805] : memref<2000000x64xf32, #tpu.memory_space<hbm>> -> memref<2000000x64xf32, #tpu.memory_space<hbm>>
      tpu.enqueue_indirect_dma source(%dma_start3A_806 : memref<2000000x64xf32, #tpu.memory_space<hbm>>) target(%arg11 : memref<26x64xf32, #tpu.memory_space<vmem>>) offsets(%dma_start3A_803 : memref<26xi32, #tpu.memory_space<vmem>>) semaphore(%arg19 : memref<!tpu.dma_semaphore, #tpu.memory_space<semaphore_mem>>)
    }
    %scan3A_287 = arith.constant 62 : i32
    %dma_wait3A_288 = arith.constant 0 : i32
    %dma_wait3A_289 = arith.constant 0 : i32
    %dma_wait3A_290 = tpu.memref_slice %arg5[%dma_wait3A_288, %dma_wait3A_289] : memref<512x26xi32, #tpu.memory_space<vmem>> -> memref<1x26xi32, #tpu.memory_space<vmem>>
    %dma_wait3A_291 = tpu.memref_squeeze %dma_wait3A_290 : memref<1x26xi32, #tpu.memory_space<vmem>> -> memref<26xi32, #tpu.memory_space<vmem>>
    %dma_wait3A_292 = arith.constant 0 : i32
    %dma_wait3A_293 = arith.constant 0 : i32
    %dma_wait3A_294 = tpu.memref_slice %arg3[%dma_wait3A_292, %dma_wait3A_293] : memref<2000000x64xf32, #tpu.memory_space<hbm>> -> memref<2000000x64xf32, #tpu.memory_space<hbm>>
    tpu.wait_indirect_dma semaphore(%arg14 : memref<!tpu.dma_semaphore, #tpu.memory_space<semaphore_mem>>) src(%dma_wait3A_294 : memref<2000000x64xf32, #tpu.memory_space<hbm>>) dst(%arg6 : memref<26x64xf32, #tpu.memory_space<vmem>>)
    %add3A_295 = arith.constant 504 : i32
    %add3A_296 = arith.addi %mul3A_2, %add3A_295 : i32
    %dma_start3A_297 = arith.constant 0 : i32
    %dma_start3A_298 = arith.constant 0 : i32
    %dma_start3A_299 = tpu.memref_slice %arg4[%add3A_296, %dma_start3A_297, %dma_start3A_298] : memref<16384x26x64xf32, #tpu.memory_space<hbm>> -> memref<1x26x64xf32, #tpu.memory_space<hbm>>
    %dma_start3A_300 = tpu.memref_squeeze %dma_start3A_299 : memref<1x26x64xf32, #tpu.memory_space<hbm>> -> memref<26x64xf32, #tpu.memory_space<hbm>>
    %dma_start3A_301 = arith.constant 0 : i32
    %dma_start3A_302 = arith.constant 0 : i32
    %dma_start3A_303 = tpu.memref_slice %arg4[%add3A_296, %dma_start3A_301, %dma_start3A_302] : memref<16384x26x64xf32, #tpu.memory_space<hbm>> -> memref<1x26x64xf32, #tpu.memory_space<hbm>>
    %dma_start3A_304 = tpu.memref_squeeze %dma_start3A_303 : memref<1x26x64xf32, #tpu.memory_space<hbm>> -> memref<26x64xf32, #tpu.memory_space<hbm>>
    tpu.enqueue_dma source(%arg6 : memref<26x64xf32, #tpu.memory_space<vmem>>) target(%dma_start3A_304 : memref<26x64xf32, #tpu.memory_space<hbm>>) target_semaphore(%arg22 : memref<!tpu.dma_semaphore, #tpu.memory_space<semaphore_mem>>)
    %dma_wait3A_305 = arith.constant 0 : i32
    %dma_wait3A_306 = arith.constant 0 : i32
    %dma_wait3A_307 = tpu.memref_slice %arg4[%mul3A_2, %dma_wait3A_305, %dma_wait3A_306] : memref<16384x26x64xf32, #tpu.memory_space<hbm>> -> memref<1x26x64xf32, #tpu.memory_space<hbm>>
    %dma_wait3A_308 = tpu.memref_squeeze %dma_wait3A_307 : memref<1x26x64xf32, #tpu.memory_space<hbm>> -> memref<26x64xf32, #tpu.memory_space<hbm>>
    %dma_wait3A_309 = arith.constant 0 : i32
    %dma_wait3A_310 = arith.constant 0 : i32
    %dma_wait3A_311 = tpu.memref_slice %arg4[%mul3A_2, %dma_wait3A_309, %dma_wait3A_310] : memref<16384x26x64xf32, #tpu.memory_space<hbm>> -> memref<1x26x64xf32, #tpu.memory_space<hbm>>
    %dma_wait3A_312 = tpu.memref_squeeze %dma_wait3A_311 : memref<1x26x64xf32, #tpu.memory_space<hbm>> -> memref<26x64xf32, #tpu.memory_space<hbm>>
    tpu.wait_dma2 semaphore(%arg28 : memref<!tpu.dma_semaphore, #tpu.memory_space<semaphore_mem>>) src(%arg12 : memref<26x64xf32, #tpu.memory_space<vmem>>) dst(%dma_wait3A_312 : memref<26x64xf32, #tpu.memory_space<hbm>>)
    %dma_start3A_313 = arith.constant 510 : i32
    %dma_start3A_314 = arith.constant 0 : i32
    %dma_start3A_315 = tpu.memref_slice %arg5[%dma_start3A_313, %dma_start3A_314] : memref<512x26xi32, #tpu.memory_space<vmem>> -> memref<1x26xi32, #tpu.memory_space<vmem>>
    %dma_start3A_316 = tpu.memref_squeeze %dma_start3A_315 : memref<1x26xi32, #tpu.memory_space<vmem>> -> memref<26xi32, #tpu.memory_space<vmem>>
    %dma_start3A_317 = arith.constant 0 : i32
    %dma_start3A_318 = arith.constant 0 : i32
    %dma_start3A_319 = tpu.memref_slice %arg3[%dma_start3A_317, %dma_start3A_318] : memref<2000000x64xf32, #tpu.memory_space<hbm>> -> memref<2000000x64xf32, #tpu.memory_space<hbm>>
    tpu.enqueue_indirect_dma source(%dma_start3A_319 : memref<2000000x64xf32, #tpu.memory_space<hbm>>) target(%arg12 : memref<26x64xf32, #tpu.memory_space<vmem>>) offsets(%dma_start3A_316 : memref<26xi32, #tpu.memory_space<vmem>>) semaphore(%arg20 : memref<!tpu.dma_semaphore, #tpu.memory_space<semaphore_mem>>)
    %dma_wait3A_320 = arith.constant 0 : i32
    %dma_wait3A_321 = arith.constant 0 : i32
    %dma_wait3A_322 = tpu.memref_slice %arg5[%dma_wait3A_320, %dma_wait3A_321] : memref<512x26xi32, #tpu.memory_space<vmem>> -> memref<1x26xi32, #tpu.memory_space<vmem>>
    %dma_wait3A_323 = tpu.memref_squeeze %dma_wait3A_322 : memref<1x26xi32, #tpu.memory_space<vmem>> -> memref<26xi32, #tpu.memory_space<vmem>>
    %dma_wait3A_324 = arith.constant 0 : i32
    %dma_wait3A_325 = arith.constant 0 : i32
    %dma_wait3A_326 = tpu.memref_slice %arg3[%dma_wait3A_324, %dma_wait3A_325] : memref<2000000x64xf32, #tpu.memory_space<hbm>> -> memref<2000000x64xf32, #tpu.memory_space<hbm>>
    tpu.wait_indirect_dma semaphore(%arg15 : memref<!tpu.dma_semaphore, #tpu.memory_space<semaphore_mem>>) src(%dma_wait3A_326 : memref<2000000x64xf32, #tpu.memory_space<hbm>>) dst(%arg7 : memref<26x64xf32, #tpu.memory_space<vmem>>)
    %add3A_327 = arith.constant 505 : i32
    %add3A_328 = arith.addi %mul3A_2, %add3A_327 : i32
    %dma_start3A_329 = arith.constant 0 : i32
    %dma_start3A_330 = arith.constant 0 : i32
    %dma_start3A_331 = tpu.memref_slice %arg4[%add3A_328, %dma_start3A_329, %dma_start3A_330] : memref<16384x26x64xf32, #tpu.memory_space<hbm>> -> memref<1x26x64xf32, #tpu.memory_space<hbm>>
    %dma_start3A_332 = tpu.memref_squeeze %dma_start3A_331 : memref<1x26x64xf32, #tpu.memory_space<hbm>> -> memref<26x64xf32, #tpu.memory_space<hbm>>
    %dma_start3A_333 = arith.constant 0 : i32
    %dma_start3A_334 = arith.constant 0 : i32
    %dma_start3A_335 = tpu.memref_slice %arg4[%add3A_328, %dma_start3A_333, %dma_start3A_334] : memref<16384x26x64xf32, #tpu.memory_space<hbm>> -> memref<1x26x64xf32, #tpu.memory_space<hbm>>
    %dma_start3A_336 = tpu.memref_squeeze %dma_start3A_335 : memref<1x26x64xf32, #tpu.memory_space<hbm>> -> memref<26x64xf32, #tpu.memory_space<hbm>>
    tpu.enqueue_dma source(%arg7 : memref<26x64xf32, #tpu.memory_space<vmem>>) target(%dma_start3A_336 : memref<26x64xf32, #tpu.memory_space<hbm>>) target_semaphore(%arg23 : memref<!tpu.dma_semaphore, #tpu.memory_space<semaphore_mem>>)
    %dma_wait3A_337 = arith.constant 0 : i32
    %dma_wait3A_338 = arith.constant 0 : i32
    %dma_wait3A_339 = tpu.memref_slice %arg4[%mul3A_2, %dma_wait3A_337, %dma_wait3A_338] : memref<16384x26x64xf32, #tpu.memory_space<hbm>> -> memref<1x26x64xf32, #tpu.memory_space<hbm>>
    %dma_wait3A_340 = tpu.memref_squeeze %dma_wait3A_339 : memref<1x26x64xf32, #tpu.memory_space<hbm>> -> memref<26x64xf32, #tpu.memory_space<hbm>>
    %dma_wait3A_341 = arith.constant 0 : i32
    %dma_wait3A_342 = arith.constant 0 : i32
    %dma_wait3A_343 = tpu.memref_slice %arg4[%mul3A_2, %dma_wait3A_341, %dma_wait3A_342] : memref<16384x26x64xf32, #tpu.memory_space<hbm>> -> memref<1x26x64xf32, #tpu.memory_space<hbm>>
    %dma_wait3A_344 = tpu.memref_squeeze %dma_wait3A_343 : memref<1x26x64xf32, #tpu.memory_space<hbm>> -> memref<26x64xf32, #tpu.memory_space<hbm>>
    tpu.wait_dma2 semaphore(%arg29 : memref<!tpu.dma_semaphore, #tpu.memory_space<semaphore_mem>>) src(%arg13 : memref<26x64xf32, #tpu.memory_space<vmem>>) dst(%dma_wait3A_344 : memref<26x64xf32, #tpu.memory_space<hbm>>)
    %dma_start3A_345 = arith.constant 511 : i32
    %dma_start3A_346 = arith.constant 0 : i32
    %dma_start3A_347 = tpu.memref_slice %arg5[%dma_start3A_345, %dma_start3A_346] : memref<512x26xi32, #tpu.memory_space<vmem>> -> memref<1x26xi32, #tpu.memory_space<vmem>>
    %dma_start3A_348 = tpu.memref_squeeze %dma_start3A_347 : memref<1x26xi32, #tpu.memory_space<vmem>> -> memref<26xi32, #tpu.memory_space<vmem>>
    %dma_start3A_349 = arith.constant 0 : i32
    %dma_start3A_350 = arith.constant 0 : i32
    %dma_start3A_351 = tpu.memref_slice %arg3[%dma_start3A_349, %dma_start3A_350] : memref<2000000x64xf32, #tpu.memory_space<hbm>> -> memref<2000000x64xf32, #tpu.memory_space<hbm>>
    tpu.enqueue_indirect_dma source(%dma_start3A_351 : memref<2000000x64xf32, #tpu.memory_space<hbm>>) target(%arg13 : memref<26x64xf32, #tpu.memory_space<vmem>>) offsets(%dma_start3A_348 : memref<26xi32, #tpu.memory_space<vmem>>) semaphore(%arg21 : memref<!tpu.dma_semaphore, #tpu.memory_space<semaphore_mem>>)
    %dma_wait3A_352 = arith.constant 0 : i32
    %dma_wait3A_353 = arith.constant 0 : i32
    %dma_wait3A_354 = tpu.memref_slice %arg5[%dma_wait3A_352, %dma_wait3A_353] : memref<512x26xi32, #tpu.memory_space<vmem>> -> memref<1x26xi32, #tpu.memory_space<vmem>>
    %dma_wait3A_355 = tpu.memref_squeeze %dma_wait3A_354 : memref<1x26xi32, #tpu.memory_space<vmem>> -> memref<26xi32, #tpu.memory_space<vmem>>
    %dma_wait3A_356 = arith.constant 0 : i32
    %dma_wait3A_357 = arith.constant 0 : i32
    %dma_wait3A_358 = tpu.memref_slice %arg3[%dma_wait3A_356, %dma_wait3A_357] : memref<2000000x64xf32, #tpu.memory_space<hbm>> -> memref<2000000x64xf32, #tpu.memory_space<hbm>>
    tpu.wait_indirect_dma semaphore(%arg16 : memref<!tpu.dma_semaphore, #tpu.memory_space<semaphore_mem>>) src(%dma_wait3A_358 : memref<2000000x64xf32, #tpu.memory_space<hbm>>) dst(%arg8 : memref<26x64xf32, #tpu.memory_space<vmem>>)
    %add3A_359 = arith.constant 506 : i32
    %add3A_360 = arith.addi %mul3A_2, %add3A_359 : i32
    %dma_start3A_361 = arith.constant 0 : i32
    %dma_start3A_362 = arith.constant 0 : i32
    %dma_start3A_363 = tpu.memref_slice %arg4[%add3A_360, %dma_start3A_361, %dma_start3A_362] : memref<16384x26x64xf32, #tpu.memory_space<hbm>> -> memref<1x26x64xf32, #tpu.memory_space<hbm>>
    %dma_start3A_364 = tpu.memref_squeeze %dma_start3A_363 : memref<1x26x64xf32, #tpu.memory_space<hbm>> -> memref<26x64xf32, #tpu.memory_space<hbm>>
    %dma_start3A_365 = arith.constant 0 : i32
    %dma_start3A_366 = arith.constant 0 : i32
    %dma_start3A_367 = tpu.memref_slice %arg4[%add3A_360, %dma_start3A_365, %dma_start3A_366] : memref<16384x26x64xf32, #tpu.memory_space<hbm>> -> memref<1x26x64xf32, #tpu.memory_space<hbm>>
    %dma_start3A_368 = tpu.memref_squeeze %dma_start3A_367 : memref<1x26x64xf32, #tpu.memory_space<hbm>> -> memref<26x64xf32, #tpu.memory_space<hbm>>
    tpu.enqueue_dma source(%arg8 : memref<26x64xf32, #tpu.memory_space<vmem>>) target(%dma_start3A_368 : memref<26x64xf32, #tpu.memory_space<hbm>>) target_semaphore(%arg24 : memref<!tpu.dma_semaphore, #tpu.memory_space<semaphore_mem>>)
    %dma_wait3A_369 = arith.constant 0 : i32
    %dma_wait3A_370 = arith.constant 0 : i32
    %dma_wait3A_371 = tpu.memref_slice %arg5[%dma_wait3A_369, %dma_wait3A_370] : memref<512x26xi32, #tpu.memory_space<vmem>> -> memref<1x26xi32, #tpu.memory_space<vmem>>
    %dma_wait3A_372 = tpu.memref_squeeze %dma_wait3A_371 : memref<1x26xi32, #tpu.memory_space<vmem>> -> memref<26xi32, #tpu.memory_space<vmem>>
    %dma_wait3A_373 = arith.constant 0 : i32
    %dma_wait3A_374 = arith.constant 0 : i32
    %dma_wait3A_375 = tpu.memref_slice %arg3[%dma_wait3A_373, %dma_wait3A_374] : memref<2000000x64xf32, #tpu.memory_space<hbm>> -> memref<2000000x64xf32, #tpu.memory_space<hbm>>
    tpu.wait_indirect_dma semaphore(%arg17 : memref<!tpu.dma_semaphore, #tpu.memory_space<semaphore_mem>>) src(%dma_wait3A_375 : memref<2000000x64xf32, #tpu.memory_space<hbm>>) dst(%arg9 : memref<26x64xf32, #tpu.memory_space<vmem>>)
    %add3A_376 = arith.constant 507 : i32
    %add3A_377 = arith.addi %mul3A_2, %add3A_376 : i32
    %dma_start3A_378 = arith.constant 0 : i32
    %dma_start3A_379 = arith.constant 0 : i32
    %dma_start3A_380 = tpu.memref_slice %arg4[%add3A_377, %dma_start3A_378, %dma_start3A_379] : memref<16384x26x64xf32, #tpu.memory_space<hbm>> -> memref<1x26x64xf32, #tpu.memory_space<hbm>>
    %dma_start3A_381 = tpu.memref_squeeze %dma_start3A_380 : memref<1x26x64xf32, #tpu.memory_space<hbm>> -> memref<26x64xf32, #tpu.memory_space<hbm>>
    %dma_start3A_382 = arith.constant 0 : i32
    %dma_start3A_383 = arith.constant 0 : i32
    %dma_start3A_384 = tpu.memref_slice %arg4[%add3A_377, %dma_start3A_382, %dma_start3A_383] : memref<16384x26x64xf32, #tpu.memory_space<hbm>> -> memref<1x26x64xf32, #tpu.memory_space<hbm>>
    %dma_start3A_385 = tpu.memref_squeeze %dma_start3A_384 : memref<1x26x64xf32, #tpu.memory_space<hbm>> -> memref<26x64xf32, #tpu.memory_space<hbm>>
    tpu.enqueue_dma source(%arg9 : memref<26x64xf32, #tpu.memory_space<vmem>>) target(%dma_start3A_385 : memref<26x64xf32, #tpu.memory_space<hbm>>) target_semaphore(%arg25 : memref<!tpu.dma_semaphore, #tpu.memory_space<semaphore_mem>>)
    %dma_wait3A_386 = arith.constant 0 : i32
    %dma_wait3A_387 = arith.constant 0 : i32
    %dma_wait3A_388 = tpu.memref_slice %arg5[%dma_wait3A_386, %dma_wait3A_387] : memref<512x26xi32, #tpu.memory_space<vmem>> -> memref<1x26xi32, #tpu.memory_space<vmem>>
    %dma_wait3A_389 = tpu.memref_squeeze %dma_wait3A_388 : memref<1x26xi32, #tpu.memory_space<vmem>> -> memref<26xi32, #tpu.memory_space<vmem>>
    %dma_wait3A_390 = arith.constant 0 : i32
    %dma_wait3A_391 = arith.constant 0 : i32
    %dma_wait3A_392 = tpu.memref_slice %arg3[%dma_wait3A_390, %dma_wait3A_391] : memref<2000000x64xf32, #tpu.memory_space<hbm>> -> memref<2000000x64xf32, #tpu.memory_space<hbm>>
    tpu.wait_indirect_dma semaphore(%arg18 : memref<!tpu.dma_semaphore, #tpu.memory_space<semaphore_mem>>) src(%dma_wait3A_392 : memref<2000000x64xf32, #tpu.memory_space<hbm>>) dst(%arg10 : memref<26x64xf32, #tpu.memory_space<vmem>>)
    %add3A_393 = arith.constant 508 : i32
    %add3A_394 = arith.addi %mul3A_2, %add3A_393 : i32
    %dma_start3A_395 = arith.constant 0 : i32
    %dma_start3A_396 = arith.constant 0 : i32
    %dma_start3A_397 = tpu.memref_slice %arg4[%add3A_394, %dma_start3A_395, %dma_start3A_396] : memref<16384x26x64xf32, #tpu.memory_space<hbm>> -> memref<1x26x64xf32, #tpu.memory_space<hbm>>
    %dma_start3A_398 = tpu.memref_squeeze %dma_start3A_397 : memref<1x26x64xf32, #tpu.memory_space<hbm>> -> memref<26x64xf32, #tpu.memory_space<hbm>>
    %dma_start3A_399 = arith.constant 0 : i32
    %dma_start3A_400 = arith.constant 0 : i32
    %dma_start3A_401 = tpu.memref_slice %arg4[%add3A_394, %dma_start3A_399, %dma_start3A_400] : memref<16384x26x64xf32, #tpu.memory_space<hbm>> -> memref<1x26x64xf32, #tpu.memory_space<hbm>>
    %dma_start3A_402 = tpu.memref_squeeze %dma_start3A_401 : memref<1x26x64xf32, #tpu.memory_space<hbm>> -> memref<26x64xf32, #tpu.memory_space<hbm>>
    tpu.enqueue_dma source(%arg10 : memref<26x64xf32, #tpu.memory_space<vmem>>) target(%dma_start3A_402 : memref<26x64xf32, #tpu.memory_space<hbm>>) target_semaphore(%arg26 : memref<!tpu.dma_semaphore, #tpu.memory_space<semaphore_mem>>)
    %dma_wait3A_403 = arith.constant 0 : i32
    %dma_wait3A_404 = arith.constant 0 : i32
    %dma_wait3A_405 = tpu.memref_slice %arg5[%dma_wait3A_403, %dma_wait3A_404] : memref<512x26xi32, #tpu.memory_space<vmem>> -> memref<1x26xi32, #tpu.memory_space<vmem>>
    %dma_wait3A_406 = tpu.memref_squeeze %dma_wait3A_405 : memref<1x26xi32, #tpu.memory_space<vmem>> -> memref<26xi32, #tpu.memory_space<vmem>>
    %dma_wait3A_407 = arith.constant 0 : i32
    %dma_wait3A_408 = arith.constant 0 : i32
    %dma_wait3A_409 = tpu.memref_slice %arg3[%dma_wait3A_407, %dma_wait3A_408] : memref<2000000x64xf32, #tpu.memory_space<hbm>> -> memref<2000000x64xf32, #tpu.memory_space<hbm>>
    tpu.wait_indirect_dma semaphore(%arg19 : memref<!tpu.dma_semaphore, #tpu.memory_space<semaphore_mem>>) src(%dma_wait3A_409 : memref<2000000x64xf32, #tpu.memory_space<hbm>>) dst(%arg11 : memref<26x64xf32, #tpu.memory_space<vmem>>)
    %add3A_410 = arith.constant 509 : i32
    %add3A_411 = arith.addi %mul3A_2, %add3A_410 : i32
    %dma_start3A_412 = arith.constant 0 : i32
    %dma_start3A_413 = arith.constant 0 : i32
    %dma_start3A_414 = tpu.memref_slice %arg4[%add3A_411, %dma_start3A_412, %dma_start3A_413] : memref<16384x26x64xf32, #tpu.memory_space<hbm>> -> memref<1x26x64xf32, #tpu.memory_space<hbm>>
    %dma_start3A_415 = tpu.memref_squeeze %dma_start3A_414 : memref<1x26x64xf32, #tpu.memory_space<hbm>> -> memref<26x64xf32, #tpu.memory_space<hbm>>
    %dma_start3A_416 = arith.constant 0 : i32
    %dma_start3A_417 = arith.constant 0 : i32
    %dma_start3A_418 = tpu.memref_slice %arg4[%add3A_411, %dma_start3A_416, %dma_start3A_417] : memref<16384x26x64xf32, #tpu.memory_space<hbm>> -> memref<1x26x64xf32, #tpu.memory_space<hbm>>
    %dma_start3A_419 = tpu.memref_squeeze %dma_start3A_418 : memref<1x26x64xf32, #tpu.memory_space<hbm>> -> memref<26x64xf32, #tpu.memory_space<hbm>>
    tpu.enqueue_dma source(%arg11 : memref<26x64xf32, #tpu.memory_space<vmem>>) target(%dma_start3A_419 : memref<26x64xf32, #tpu.memory_space<hbm>>) target_semaphore(%arg27 : memref<!tpu.dma_semaphore, #tpu.memory_space<semaphore_mem>>)
    %dma_wait3A_420 = arith.constant 0 : i32
    %dma_wait3A_421 = arith.constant 0 : i32
    %dma_wait3A_422 = tpu.memref_slice %arg5[%dma_wait3A_420, %dma_wait3A_421] : memref<512x26xi32, #tpu.memory_space<vmem>> -> memref<1x26xi32, #tpu.memory_space<vmem>>
    %dma_wait3A_423 = tpu.memref_squeeze %dma_wait3A_422 : memref<1x26xi32, #tpu.memory_space<vmem>> -> memref<26xi32, #tpu.memory_space<vmem>>
    %dma_wait3A_424 = arith.constant 0 : i32
    %dma_wait3A_425 = arith.constant 0 : i32
    %dma_wait3A_426 = tpu.memref_slice %arg3[%dma_wait3A_424, %dma_wait3A_425] : memref<2000000x64xf32, #tpu.memory_space<hbm>> -> memref<2000000x64xf32, #tpu.memory_space<hbm>>
    tpu.wait_indirect_dma semaphore(%arg20 : memref<!tpu.dma_semaphore, #tpu.memory_space<semaphore_mem>>) src(%dma_wait3A_426 : memref<2000000x64xf32, #tpu.memory_space<hbm>>) dst(%arg12 : memref<26x64xf32, #tpu.memory_space<vmem>>)
    %add3A_427 = arith.constant 510 : i32
    %add3A_428 = arith.addi %mul3A_2, %add3A_427 : i32
    %dma_start3A_429 = arith.constant 0 : i32
    %dma_start3A_430 = arith.constant 0 : i32
    %dma_start3A_431 = tpu.memref_slice %arg4[%add3A_428, %dma_start3A_429, %dma_start3A_430] : memref<16384x26x64xf32, #tpu.memory_space<hbm>> -> memref<1x26x64xf32, #tpu.memory_space<hbm>>
    %dma_start3A_432 = tpu.memref_squeeze %dma_start3A_431 : memref<1x26x64xf32, #tpu.memory_space<hbm>> -> memref<26x64xf32, #tpu.memory_space<hbm>>
    %dma_start3A_433 = arith.constant 0 : i32
    %dma_start3A_434 = arith.constant 0 : i32
    %dma_start3A_435 = tpu.memref_slice %arg4[%add3A_428, %dma_start3A_433, %dma_start3A_434] : memref<16384x26x64xf32, #tpu.memory_space<hbm>> -> memref<1x26x64xf32, #tpu.memory_space<hbm>>
    %dma_start3A_436 = tpu.memref_squeeze %dma_start3A_435 : memref<1x26x64xf32, #tpu.memory_space<hbm>> -> memref<26x64xf32, #tpu.memory_space<hbm>>
    tpu.enqueue_dma source(%arg12 : memref<26x64xf32, #tpu.memory_space<vmem>>) target(%dma_start3A_436 : memref<26x64xf32, #tpu.memory_space<hbm>>) target_semaphore(%arg28 : memref<!tpu.dma_semaphore, #tpu.memory_space<semaphore_mem>>)
    %dma_wait3A_437 = arith.constant 0 : i32
    %dma_wait3A_438 = arith.constant 0 : i32
    %dma_wait3A_439 = tpu.memref_slice %arg5[%dma_wait3A_437, %dma_wait3A_438] : memref<512x26xi32, #tpu.memory_space<vmem>> -> memref<1x26xi32, #tpu.memory_space<vmem>>
    %dma_wait3A_440 = tpu.memref_squeeze %dma_wait3A_439 : memref<1x26xi32, #tpu.memory_space<vmem>> -> memref<26xi32, #tpu.memory_space<vmem>>
    %dma_wait3A_441 = arith.constant 0 : i32
    %dma_wait3A_442 = arith.constant 0 : i32
    %dma_wait3A_443 = tpu.memref_slice %arg3[%dma_wait3A_441, %dma_wait3A_442] : memref<2000000x64xf32, #tpu.memory_space<hbm>> -> memref<2000000x64xf32, #tpu.memory_space<hbm>>
    tpu.wait_indirect_dma semaphore(%arg21 : memref<!tpu.dma_semaphore, #tpu.memory_space<semaphore_mem>>) src(%dma_wait3A_443 : memref<2000000x64xf32, #tpu.memory_space<hbm>>) dst(%arg13 : memref<26x64xf32, #tpu.memory_space<vmem>>)
    %add3A_444 = arith.constant 511 : i32
    %add3A_445 = arith.addi %mul3A_2, %add3A_444 : i32
    %dma_start3A_446 = arith.constant 0 : i32
    %dma_start3A_447 = arith.constant 0 : i32
    %dma_start3A_448 = tpu.memref_slice %arg4[%add3A_445, %dma_start3A_446, %dma_start3A_447] : memref<16384x26x64xf32, #tpu.memory_space<hbm>> -> memref<1x26x64xf32, #tpu.memory_space<hbm>>
    %dma_start3A_449 = tpu.memref_squeeze %dma_start3A_448 : memref<1x26x64xf32, #tpu.memory_space<hbm>> -> memref<26x64xf32, #tpu.memory_space<hbm>>
    %dma_start3A_450 = arith.constant 0 : i32
    %dma_start3A_451 = arith.constant 0 : i32
    %dma_start3A_452 = tpu.memref_slice %arg4[%add3A_445, %dma_start3A_450, %dma_start3A_451] : memref<16384x26x64xf32, #tpu.memory_space<hbm>> -> memref<1x26x64xf32, #tpu.memory_space<hbm>>
    %dma_start3A_453 = tpu.memref_squeeze %dma_start3A_452 : memref<1x26x64xf32, #tpu.memory_space<hbm>> -> memref<26x64xf32, #tpu.memory_space<hbm>>
    tpu.enqueue_dma source(%arg13 : memref<26x64xf32, #tpu.memory_space<vmem>>) target(%dma_start3A_453 : memref<26x64xf32, #tpu.memory_space<hbm>>) target_semaphore(%arg29 : memref<!tpu.dma_semaphore, #tpu.memory_space<semaphore_mem>>)
    %dma_wait3A_454 = arith.constant 0 : i32
    %dma_wait3A_455 = arith.constant 0 : i32
    %dma_wait3A_456 = tpu.memref_slice %arg4[%mul3A_2, %dma_wait3A_454, %dma_wait3A_455] : memref<16384x26x64xf32, #tpu.memory_space<hbm>> -> memref<1x26x64xf32, #tpu.memory_space<hbm>>
    %dma_wait3A_457 = tpu.memref_squeeze %dma_wait3A_456 : memref<1x26x64xf32, #tpu.memory_space<hbm>> -> memref<26x64xf32, #tpu.memory_space<hbm>>
    %dma_wait3A_458 = arith.constant 0 : i32
    %dma_wait3A_459 = arith.constant 0 : i32
    %dma_wait3A_460 = tpu.memref_slice %arg4[%mul3A_2, %dma_wait3A_458, %dma_wait3A_459] : memref<16384x26x64xf32, #tpu.memory_space<hbm>> -> memref<1x26x64xf32, #tpu.memory_space<hbm>>
    %dma_wait3A_461 = tpu.memref_squeeze %dma_wait3A_460 : memref<1x26x64xf32, #tpu.memory_space<hbm>> -> memref<26x64xf32, #tpu.memory_space<hbm>>
    tpu.wait_dma2 semaphore(%arg22 : memref<!tpu.dma_semaphore, #tpu.memory_space<semaphore_mem>>) src(%arg6 : memref<26x64xf32, #tpu.memory_space<vmem>>) dst(%dma_wait3A_461 : memref<26x64xf32, #tpu.memory_space<hbm>>)
    %dma_wait3A_462 = arith.constant 0 : i32
    %dma_wait3A_463 = arith.constant 0 : i32
    %dma_wait3A_464 = tpu.memref_slice %arg4[%mul3A_2, %dma_wait3A_462, %dma_wait3A_463] : memref<16384x26x64xf32, #tpu.memory_space<hbm>> -> memref<1x26x64xf32, #tpu.memory_space<hbm>>
    %dma_wait3A_465 = tpu.memref_squeeze %dma_wait3A_464 : memref<1x26x64xf32, #tpu.memory_space<hbm>> -> memref<26x64xf32, #tpu.memory_space<hbm>>
    %dma_wait3A_466 = arith.constant 0 : i32
    %dma_wait3A_467 = arith.constant 0 : i32
    %dma_wait3A_468 = tpu.memref_slice %arg4[%mul3A_2, %dma_wait3A_466, %dma_wait3A_467] : memref<16384x26x64xf32, #tpu.memory_space<hbm>> -> memref<1x26x64xf32, #tpu.memory_space<hbm>>
    %dma_wait3A_469 = tpu.memref_squeeze %dma_wait3A_468 : memref<1x26x64xf32, #tpu.memory_space<hbm>> -> memref<26x64xf32, #tpu.memory_space<hbm>>
    tpu.wait_dma2 semaphore(%arg23 : memref<!tpu.dma_semaphore, #tpu.memory_space<semaphore_mem>>) src(%arg7 : memref<26x64xf32, #tpu.memory_space<vmem>>) dst(%dma_wait3A_469 : memref<26x64xf32, #tpu.memory_space<hbm>>)
    %dma_wait3A_470 = arith.constant 0 : i32
    %dma_wait3A_471 = arith.constant 0 : i32
    %dma_wait3A_472 = tpu.memref_slice %arg4[%mul3A_2, %dma_wait3A_470, %dma_wait3A_471] : memref<16384x26x64xf32, #tpu.memory_space<hbm>> -> memref<1x26x64xf32, #tpu.memory_space<hbm>>
    %dma_wait3A_473 = tpu.memref_squeeze %dma_wait3A_472 : memref<1x26x64xf32, #tpu.memory_space<hbm>> -> memref<26x64xf32, #tpu.memory_space<hbm>>
    %dma_wait3A_474 = arith.constant 0 : i32
    %dma_wait3A_475 = arith.constant 0 : i32
    %dma_wait3A_476 = tpu.memref_slice %arg4[%mul3A_2, %dma_wait3A_474, %dma_wait3A_475] : memref<16384x26x64xf32, #tpu.memory_space<hbm>> -> memref<1x26x64xf32, #tpu.memory_space<hbm>>
    %dma_wait3A_477 = tpu.memref_squeeze %dma_wait3A_476 : memref<1x26x64xf32, #tpu.memory_space<hbm>> -> memref<26x64xf32, #tpu.memory_space<hbm>>
    tpu.wait_dma2 semaphore(%arg24 : memref<!tpu.dma_semaphore, #tpu.memory_space<semaphore_mem>>) src(%arg8 : memref<26x64xf32, #tpu.memory_space<vmem>>) dst(%dma_wait3A_477 : memref<26x64xf32, #tpu.memory_space<hbm>>)
    %dma_wait3A_478 = arith.constant 0 : i32
    %dma_wait3A_479 = arith.constant 0 : i32
    %dma_wait3A_480 = tpu.memref_slice %arg4[%mul3A_2, %dma_wait3A_478, %dma_wait3A_479] : memref<16384x26x64xf32, #tpu.memory_space<hbm>> -> memref<1x26x64xf32, #tpu.memory_space<hbm>>
    %dma_wait3A_481 = tpu.memref_squeeze %dma_wait3A_480 : memref<1x26x64xf32, #tpu.memory_space<hbm>> -> memref<26x64xf32, #tpu.memory_space<hbm>>
    %dma_wait3A_482 = arith.constant 0 : i32
    %dma_wait3A_483 = arith.constant 0 : i32
    %dma_wait3A_484 = tpu.memref_slice %arg4[%mul3A_2, %dma_wait3A_482, %dma_wait3A_483] : memref<16384x26x64xf32, #tpu.memory_space<hbm>> -> memref<1x26x64xf32, #tpu.memory_space<hbm>>
    %dma_wait3A_485 = tpu.memref_squeeze %dma_wait3A_484 : memref<1x26x64xf32, #tpu.memory_space<hbm>> -> memref<26x64xf32, #tpu.memory_space<hbm>>
    tpu.wait_dma2 semaphore(%arg25 : memref<!tpu.dma_semaphore, #tpu.memory_space<semaphore_mem>>) src(%arg9 : memref<26x64xf32, #tpu.memory_space<vmem>>) dst(%dma_wait3A_485 : memref<26x64xf32, #tpu.memory_space<hbm>>)
    %dma_wait3A_486 = arith.constant 0 : i32
    %dma_wait3A_487 = arith.constant 0 : i32
    %dma_wait3A_488 = tpu.memref_slice %arg4[%mul3A_2, %dma_wait3A_486, %dma_wait3A_487] : memref<16384x26x64xf32, #tpu.memory_space<hbm>> -> memref<1x26x64xf32, #tpu.memory_space<hbm>>
    %dma_wait3A_489 = tpu.memref_squeeze %dma_wait3A_488 : memref<1x26x64xf32, #tpu.memory_space<hbm>> -> memref<26x64xf32, #tpu.memory_space<hbm>>
    %dma_wait3A_490 = arith.constant 0 : i32
    %dma_wait3A_491 = arith.constant 0 : i32
    %dma_wait3A_492 = tpu.memref_slice %arg4[%mul3A_2, %dma_wait3A_490, %dma_wait3A_491] : memref<16384x26x64xf32, #tpu.memory_space<hbm>> -> memref<1x26x64xf32, #tpu.memory_space<hbm>>
    %dma_wait3A_493 = tpu.memref_squeeze %dma_wait3A_492 : memref<1x26x64xf32, #tpu.memory_space<hbm>> -> memref<26x64xf32, #tpu.memory_space<hbm>>
    tpu.wait_dma2 semaphore(%arg26 : memref<!tpu.dma_semaphore, #tpu.memory_space<semaphore_mem>>) src(%arg10 : memref<26x64xf32, #tpu.memory_space<vmem>>) dst(%dma_wait3A_493 : memref<26x64xf32, #tpu.memory_space<hbm>>)
    %dma_wait3A_494 = arith.constant 0 : i32
    %dma_wait3A_495 = arith.constant 0 : i32
    %dma_wait3A_496 = tpu.memref_slice %arg4[%mul3A_2, %dma_wait3A_494, %dma_wait3A_495] : memref<16384x26x64xf32, #tpu.memory_space<hbm>> -> memref<1x26x64xf32, #tpu.memory_space<hbm>>
    %dma_wait3A_497 = tpu.memref_squeeze %dma_wait3A_496 : memref<1x26x64xf32, #tpu.memory_space<hbm>> -> memref<26x64xf32, #tpu.memory_space<hbm>>
    %dma_wait3A_498 = arith.constant 0 : i32
    %dma_wait3A_499 = arith.constant 0 : i32
    %dma_wait3A_500 = tpu.memref_slice %arg4[%mul3A_2, %dma_wait3A_498, %dma_wait3A_499] : memref<16384x26x64xf32, #tpu.memory_space<hbm>> -> memref<1x26x64xf32, #tpu.memory_space<hbm>>
    %dma_wait3A_501 = tpu.memref_squeeze %dma_wait3A_500 : memref<1x26x64xf32, #tpu.memory_space<hbm>> -> memref<26x64xf32, #tpu.memory_space<hbm>>
    tpu.wait_dma2 semaphore(%arg27 : memref<!tpu.dma_semaphore, #tpu.memory_space<semaphore_mem>>) src(%arg11 : memref<26x64xf32, #tpu.memory_space<vmem>>) dst(%dma_wait3A_501 : memref<26x64xf32, #tpu.memory_space<hbm>>)
    %dma_wait3A_502 = arith.constant 0 : i32
    %dma_wait3A_503 = arith.constant 0 : i32
    %dma_wait3A_504 = tpu.memref_slice %arg4[%mul3A_2, %dma_wait3A_502, %dma_wait3A_503] : memref<16384x26x64xf32, #tpu.memory_space<hbm>> -> memref<1x26x64xf32, #tpu.memory_space<hbm>>
    %dma_wait3A_505 = tpu.memref_squeeze %dma_wait3A_504 : memref<1x26x64xf32, #tpu.memory_space<hbm>> -> memref<26x64xf32, #tpu.memory_space<hbm>>
    %dma_wait3A_506 = arith.constant 0 : i32
    %dma_wait3A_507 = arith.constant 0 : i32
    %dma_wait3A_508 = tpu.memref_slice %arg4[%mul3A_2, %dma_wait3A_506, %dma_wait3A_507] : memref<16384x26x64xf32, #tpu.memory_space<hbm>> -> memref<1x26x64xf32, #tpu.memory_space<hbm>>
    %dma_wait3A_509 = tpu.memref_squeeze %dma_wait3A_508 : memref<1x26x64xf32, #tpu.memory_space<hbm>> -> memref<26x64xf32, #tpu.memory_space<hbm>>
    tpu.wait_dma2 semaphore(%arg28 : memref<!tpu.dma_semaphore, #tpu.memory_space<semaphore_mem>>) src(%arg12 : memref<26x64xf32, #tpu.memory_space<vmem>>) dst(%dma_wait3A_509 : memref<26x64xf32, #tpu.memory_space<hbm>>)
    %dma_wait3A_510 = arith.constant 0 : i32
    %dma_wait3A_511 = arith.constant 0 : i32
    %dma_wait3A_512 = tpu.memref_slice %arg4[%mul3A_2, %dma_wait3A_510, %dma_wait3A_511] : memref<16384x26x64xf32, #tpu.memory_space<hbm>> -> memref<1x26x64xf32, #tpu.memory_space<hbm>>
    %dma_wait3A_513 = tpu.memref_squeeze %dma_wait3A_512 : memref<1x26x64xf32, #tpu.memory_space<hbm>> -> memref<26x64xf32, #tpu.memory_space<hbm>>
    %dma_wait3A_514 = arith.constant 0 : i32
    %dma_wait3A_515 = arith.constant 0 : i32
    %dma_wait3A_516 = tpu.memref_slice %arg4[%mul3A_2, %dma_wait3A_514, %dma_wait3A_515] : memref<16384x26x64xf32, #tpu.memory_space<hbm>> -> memref<1x26x64xf32, #tpu.memory_space<hbm>>
    %dma_wait3A_517 = tpu.memref_squeeze %dma_wait3A_516 : memref<1x26x64xf32, #tpu.memory_space<hbm>> -> memref<26x64xf32, #tpu.memory_space<hbm>>
    tpu.wait_dma2 semaphore(%arg29 : memref<!tpu.dma_semaphore, #tpu.memory_space<semaphore_mem>>) src(%arg13 : memref<26x64xf32, #tpu.memory_space<vmem>>) dst(%dma_wait3A_517 : memref<26x64xf32, #tpu.memory_space<hbm>>)
    return
  }
}

module attributes {stable_mosaic.version = 14 : i64} {
  func.func @body(%arg0: i32, %arg1: memref<64x16000xf32, #tpu.memory_space<vmem>>, %arg2: memref<16000x128xf32, #tpu.memory_space<vmem>>) attributes {dimension_semantics = [#tpu.dimension_semantics<arbitrary>], iteration_bounds = array<i64: 63>, scalar_prefetch = 0 : i64, scratch_operands = 0 : i64, tpu.core_type = #tpu.core_type<tc>, window_params = [{transform_indices = @transform_0, window_bounds = array<i64: 64, 16000>}, {transform_indices = @transform_1, window_bounds = array<i64: 16000, 128>}]} {
    %get3A = arith.constant 0 : index
    %get3A_0 = arith.constant 0 : index
    %get3A_1 = vector.load %arg1[%get3A, %get3A_0] : memref<64x16000xf32, #tpu.memory_space<vmem>>, vector<64x16000xf32>
    %transpose3A = tpu.transpose %get3A_1, [1, 0] : vector<64x16000xf32> -> vector<16000x64xf32>
    %concatenate3A = tpu.concatenate %transpose3A, %transpose3A in 1 : vector<16000x64xf32>, vector<16000x64xf32> -> vector<16000x128xf32>
    %swap3A = arith.constant 0 : index
    %swap3A_2 = arith.constant 0 : index
    %swap3A_3 = vector.load %arg2[%swap3A, %swap3A_2] : memref<16000x128xf32, #tpu.memory_space<vmem>>, vector<16000x128xf32>
    tpu.vector_store %arg2[%swap3A, %swap3A_2], %concatenate3A {strides = array<i32>} : memref<16000x128xf32, #tpu.memory_space<vmem>>, vector<16000x128xf32>,
    return
  }
  func.func @transform_0(%arg0: i32) -> (i32, i32) {
    %c0_i32 = arith.constant 0 : i32
    %c0_i32_0 = arith.constant 0 : i32
    return %c0_i32, %arg0 : i32, i32
  }
  func.func @transform_1(%arg0: i32) -> (i32, i32) {
    %c0_i32 = arith.constant 0 : i32
    %c0_i32_0 = arith.constant 0 : i32
    return %arg0, %c0_i32 : i32, i32
  }
}

</mosaic_0001>

<sc_bundles>
// kernel: _embed.4.cloned.1.call-start
scs
__scs_entry_jumppad:
0x0: {  	(pc) =	sbr.rel $0x88, $3  }
0x1: {  	(tag) =	ssettag $0x0;
	lr =	simm.s32 $0x1  }
0x2: {  	[smem:$0x3F9F] =	sst lr;
	_ =	strace $0xD0000000  }
0x3: {  	_ = 	snop  }
0x4: {  	_ = 	snop  }
0x5: {  	_ = 	snop  }
0x6: {  	_ = 	snop  }
0x7: {  	_ = 	snop  }
__scs_overlays_trampoline_lowered:
0x8: {  	[smem:$0x3FAE] =	sst s0  }
0x9: {  	[smem:$0x3FAF] =	sst s1  }
0xa: {  	[smem:$0x3FB0] =	sst s2  }
0xb: {  	[smem:$0x3FB1] =	sst s3  }
0xc: {  	[smem:$0x3FB2] =	sst s4  }
0xd: {  	[smem:$0x3FB3] =	sst s5  }
0xe: {  	[smem:$0x3FB4] =	sst s6  }
0xf: {  	[smem:$0x3FB5] =	sst s7  }
0x10: {  	[smem:$0x3FB6] =	sst s8  }
0x11: {  	[smem:$0x3FB7] =	sst s9;
	s0 =	simm.s32 @!p0 $0x0  }
0x12: {  	s1 =	sld [smem:$0x3F9D];
	s0 =	simm.s32 @p0 $0x1  }
0x13: {  	[smem:$0x3FB8] =	sst s0;
	s0 =	simm.s32 @!p1 $0x0  }
0x14: {  	s2 =	sld [smem:$0x3F9C];
	s0 =	simm.s32 @p1 $0x1  }
0x15: {  	[smem:$0x3FB9] =	sst s0;
	s0 =	simm.s32 @!p2 $0x0  }
0x16: {  	s3 =	sld [smem:$0x3FDB];
	s0 =	simm.s32 @p2 $0x1  }
0x17: {  	s4 =	simm.s32 $0x1BF5;
	[smem:$0x3FBB] =	sst s0  }
0x18: {  	s0 =	sld [smem:$0x3F9E];
	_ =	swait.ge [sflag:s4], $0x0  }
0x19: {  	s7 =	sld [smem:$0x3F9F]  }
0x1a: {  	s8 =	sadd.s32 $0xFFFFE003, lr  }
0x1b: {  	s9 =	sadd.s32 $0xFFFFFEF7, lr;
	s5 =	simm.s32 $0xFFFFFFFF;
	p2 =	slt.u32 s8, $0xFFFFF086  }
0x1c: {  	p1 =	slt.u32 s9, $0xF7A;
	s5 =	simm.s32 @!p2 $0x0  }
0x1d: {  	s5 =	simm.s32 @p1 $0x1;
	p0 =	seq.s32 s7, s2  }
0x1e: {  	s7 =	smul.u32 @!p0 $0xF7A, s2;
	p2 =	seq.s32 @!p0 s5, $0x0  }
0x1f: {  	s9 =	smul.u32 $0xF7A, s1;
	s8 =	simm.s32 @!p0 $0x1BF5;
	p2 =	por !p2, p0  }
0x20: {  	[sflag:s8] =	ssyncset.s32 @!p0 $0xFFFFF086;
	s6 =	sadd.s32 @!p0 s3, s7;
	s7 =	simm.s32 @!p0 $0x108  }
0x21: {  	s3 =	sadd.s32 s3, s9;
	s6 =	sadd.s32 @!p0 $0x88, s6;
	s7 =	simm.s32 @p2 $0x1082  }
0x22: {  	[simem:s7], [sflag:s8] =	dma.local @!p0 [hbm:s6], $0xF7A  }
0x23: {  	s9 =	sor.u32 $0xD0000000, s2;
	s6 =	simm.s32 $0x108;
	_ =	swait.ge @!p0 [sflag:s8], $0x0  }
0x24: {  	s3 =	sadd.s32 $0x88, s3;
	s6 =	simm.s32 @!p1 $0x1082;
	[sflag:s4] =	ssyncset.s32 $0xFFFFF086  }
0x25: {  	[simem:s6], [sflag:s4] =	dma.local [hbm:s3], $0xF7A  }
0x26: {  	[smem:$0x3F9F] =	sst s1;
	(tag) =	ssettag s2;
	_ =	strace s9  }
0x27: {  	s1 =	sld [smem:$0x3FAF]  }
0x28: {  	s2 =	sld [smem:$0x3FB0]  }
0x29: {  	s4 =	sld [smem:$0x3FB2]  }
0x2a: {  	p0 =	seq.s32 s5, $0x0;
	s5 =	sld [smem:$0x3FB3]  }
0x2b: {  	s6 =	sld [smem:$0x3FB4]  }
0x2c: {  	s7 =	sld [smem:$0x3FB5]  }
0x2d: {  	s3 =	simm.s32 $0x108;
	s8 =	sld [smem:$0x3FB6]  }
0x2e: {  	s3 =	simm.s32 @!p0 $0x1082;
	s9 =	sld [smem:$0x3FB7]  }
0x2f: {  	lr =	sadd.s32 s0, s3;
	s0 =	sld [smem:$0x3FAE]  }
0x30: {  	s3 =	sld [smem:$0x3FB1]  }
0x31: {  	[smem:$0x3FBA] =	sst s10  }
0x32: {  	s10 =	sld [smem:$0x3FB8];
	_ =	sdelay $0x3  }
0x33: {  	p0 =	seq.s32 s10, $0x1;
	s10 =	sld [smem:$0x3FBA];
	_ =	sdelay $0x3  }
0x34: {  	[smem:$0x3FBA] =	sst s10  }
0x35: {  	s10 =	sld [smem:$0x3FB9];
	_ =	sdelay $0x3  }
0x36: {  	p1 =	seq.s32 s10, $0x1;
	s10 =	sld [smem:$0x3FBA];
	_ =	sdelay $0x3  }
0x37: {  	[smem:$0x3FBA] =	sst s10  }
0x38: {  	s10 =	sld [smem:$0x3FBB]  }
0x39: {  	_ = 	snop;
	(pc) =	sbr.ind lr, $3  }
0x3a: {  	_ = 	snop  }
0x3b: {  	_ = 	snop  }
0x3c: {  	p2 =	seq.s32 s10, $0x1;
	s10 =	sld [smem:$0x3FBA]  }
0x3d: {  	_ =	shalt  }
0x3e: {  	_ =	shalt  }
0x3f: {  	_ =	shalt  }
0x40: {  	_ =	shalt  }
0x41: {  	_ =	shalt  }
0x42: {  	_ =	shalt  }
0x43: {  	_ =	shalt  }
0x44: {  	_ =	shalt  }
0x45: {  	_ =	shalt  }
0x46: {  	_ =	shalt  }
0x47: {  	_ =	shalt  }
0x48: {  	_ =	shalt  }
0x49: {  	_ =	shalt  }
0x4a: {  	_ =	shalt  }
0x4b: {  	_ =	shalt  }
0x4c: {  	_ =	shalt  }
0x4d: {  	_ =	shalt  }
0x4e: {  	_ =	shalt  }
0x4f: {  	_ =	shalt  }
0x50: {  	_ =	shalt  }
0x51: {  	_ =	shalt  }
0x52: {  	_ =	shalt  }
0x53: {  	_ =	shalt  }
0x54: {  	_ =	shalt  }
0x55: {  	_ =	shalt  }
0x56: {  	_ =	shalt  }
0x57: {  	_ =	shalt  }
0x58: {  	_ =	shalt  }
0x59: {  	_ =	shalt  }
0x5a: {  	_ =	shalt  }
0x5b: {  	_ =	shalt  }
0x5c: {  	_ =	shalt  }
0x5d: {  	_ =	shalt  }
0x5e: {  	_ =	shalt  }
0x5f: {  	_ =	shalt  }
0x60: {  	_ =	shalt  }
0x61: {  	_ =	shalt  }
0x62: {  	_ =	shalt  }
0x63: {  	_ =	shalt  }
0x64: {  	_ =	shalt  }
0x65: {  	_ =	shalt  }
0x66: {  	_ =	shalt  }
0x67: {  	_ =	shalt  }
0x68: {  	_ =	shalt  }
0x69: {  	_ =	shalt  }
0x6a: {  	_ =	shalt  }
0x6b: {  	_ =	shalt  }
0x6c: {  	_ =	shalt  }
0x6d: {  	_ =	shalt  }
0x6e: {  	_ =	shalt  }
0x6f: {  	_ =	shalt  }
0x70: {  	_ =	shalt  }
0x71: {  	_ =	shalt  }
0x72: {  	_ =	shalt  }
0x73: {  	_ =	shalt  }
0x74: {  	_ =	shalt  }
0x75: {  	_ =	shalt  }
0x76: {  	_ =	shalt  }
0x77: {  	_ =	shalt  }
0x78: {  	_ =	shalt  }
0x79: {  	_ =	shalt  }
0x7a: {  	_ =	shalt  }
0x7b: {  	_ =	shalt  }
0x7c: {  	_ =	shalt  }
0x7d: {  	_ =	shalt  }
0x7e: {  	_ =	shalt  }
0x7f: {  	_ =	shalt  }
0x80: {  	_ =	shalt  }
0x81: {  	_ =	shalt  }
0x82: {  	_ =	shalt  }
0x83: {  	_ =	shalt  }
0x84: {  	_ =	shalt  }
0x85: {  	_ =	shalt  }
0x86: {  	_ =	shalt  }
0x87: {  	_ =	shalt  }
.Lfunc_end0:
.L_simem_size_0:
called_computation.1_lowered:
.L_overlay_start_0:
0x88: {  	s2 =	sld [smem:$0x3FD9]  }
0x89: {  	s3 =	sld [smem:$0x3FFE];
	_ =	sdelay $0x1  }
0x8a: {  	s1 =	srdreg.scid  }
0x8b: {  	s0 =	sand.u32 $0x1, s1  }
0x8c: {  	s17 =	sshll.u32 s0, $0xA;
	s2 =	sadd.s32 s3, s2  }
0x8d: {  	s2 =	sadd.s32 s2, s17  }
0x8e: {  	[smem:$0x3FC6] =	sst s2  }
0x8f: {  	_ = 	snop  }
0x90: {  	s2 =	sld [smem:$0x3FD0];
	(tm) =	ssettm $0x1  }
0x91: {  	s18 =	sld [smem:$0x3FFB];
	_ =	sdelay $0x3  }
0x92: {  	_ =	strace s18  }
0x93: {  	s3 =	sld [smem:$0x3FFC];
	_ =	sdelay $0x3  }
0x94: {  	_ =	strace s3  }
0x95: {  	s3 =	sld [smem:$0x3FFD];
	_ =	sdelay $0x3  }
0x96: {  	_ =	strace s3  }
0x97: {  	_ =	strace $0x8FFFFFFF  }
0x98: {  	s19 =	sld [smem:$0x3FDB];
	_ =	sdelay $0x1  }
0x99: {  	s4 =	simm.s32 $_scs_section_size  }
0x9a: {  	s5 =	simm.s32 $_size__tile_overlayer_lowered;
	s6 =	simm.s32 $_tile_overlayer_lowered  }
0x9b: {  	s22 =	simm.s32 $0x1BFF;
	s21 =	sshll.u32 s6, $0x1;
	s3 =	sadd.s32 s4, s19  }
0x9c: {  	s7 =	simm.s32 $0x0;
	s20 =	sshll.u32 s5, $0x1;
	s5 =	sadd.s32 s21, s3  }
0x9d: {  	[timem:s7], [sflag:s22] =	dma.local [hbm:s5], s20  }
0x9e: {  	_ =	swait.ge [sflag:s22], s20  }
0x9f: {  	s4 =	ssub.s32 $0x0, s20;
	[sflag:s22] =	ssyncset.done $0x0  }
0xa0: {  	[sflag:s22] =	ssyncadd.s32 s4;
	_ =	sdelay $0x1  }
0xa1: {  	s23 =	simm.s32 $0x1B8B  }
0xa2: {  	_ =	swait.ge [sflag:s23], $0x1  }
0xa3: {  	[sflag:s23] =	ssyncset.done $0x0  }
0xa4: {  	s25 =	simm.s32 $0x1B8E;
	s24 =	sld [smem:$0x3FFE];
	[sflag:s23] =	ssyncadd.s32 $0xFFFFFFFF  }
0xa5: {  	s26 =	simm.s32 $execute0_lowered;
	[smem:$0x3FD2] =	sst s25  }
0xa6: {  	s5 =	sshll.u32 s26, $0x1;
	_ =	strace $0x80000046;
	[dreg:$0x1] =	wrdreg $0xFFFFFFFF  }
0xa7: {  	s28 =	simm.s32 $_size_execute0_lowered;
	s3 =	sadd.s32 s3, s5;
	[dreg:$0x0] =	wrdreg $0x0  }
0xa8: {  	s5 =	sshll.u32 s28, $0x1;
	[dreg:$0x2] =	wrdreg s3  }
0xa9: {  	[dreg:$0x3] =	wrdreg s5  }
0xaa: {  	[dreg:$0x4] =	wrdreg $0xC0  }
0xab: {  	_ =	task [dreg:s7], $0x5FFFF  }
0xac: {  	[dreg:$0x1] =	wrdreg $0xFFFFFFFF  }
0xad: {  	[dreg:$0x0] =	wrdreg $0x60  }
0xae: {  	[dreg:$0x2] =	wrdreg s24  }
0xaf: {  	[dreg:$0x3] =	wrdreg s2  }
0xb0: {  	[dreg:$0x4] =	wrdreg $0x9  }
0xb1: {  	_ =	task.clear_ibuf [dreg:s7], $0x5FFFF;
	_ =	strace $0x90000046  }
0xb2: {  	s29 =	simm.s32 $0x9;
	_ =	strace $0x80000048  }
0xb3: {  	_ =	swait.ge [sflag:s29], $0x1  }
0xb4: {  	[sflag:s29] =	ssyncadd.s32 $0xFFFFFFFF  }
0xb5: {  	_ =	strace $0x90000048  }
0xb6: {  	_ =	sfence  }
0xb7: {  	s30 =	sld [smem:$0x0];
	_ =	sdelay $0x2  }
0xb8: {  	s31 =	sshll.u32 s1, $0xD;
	s1 =	sshrl.u32 s1, $0x2  }
0xb9: {  	s3 =	sand.u32 $0x4000, s31;
	s1 =	sadd.s32 s1, s30  }
0xba: {  	s0 =	sor.u32 s3, s0;
	s1 =	sshll.u32 s1, $0x11  }
0xbb: {  	s0 =	sor.u32 s1, s0  }
0xbc: {  	s0 =	sadd.s32 $0x8F2B, s0  }
0xbd: {  	[sflag:s0] =	ssyncadd.remote.s32 $0x1  }
0xbe: {  	_ =	sfence.sel $0xFFFF  }
0xbf: {  	[dreg:$0x0] =	wrdreg $0xFFFFFFFF;
	(pc) =	sbr.abs _section_cstart, $3  }
0xc0: {  	[dreg:$0x1] =	wrdreg $0xFFFFFFFF  }
0xc1: {  	_ =	task.clear_ibuf [dreg:s7], $0x2FFFF;
	_ =	strace $0x9FFFFFFF  }
0xc2: {  	(tm) =	ssettm $0x7FFFFFFF  }
0xc3: {  	_ =	shalt  }
tec
execute0_lowered:
.L_overlay_start_1:
0x0: {  	(tag) =	ssettag $0x1  }
0x1: {  	s0 =	rddreg [dreg:$0x0]  }
0x2: {  	s1 =	rddreg [dreg:$0x1]  }
0x3: {  	s3 =	srdreg.scid;
	s2 =	simm.s32 $0x0;
	s9 =	stileid.u32  }
0x4: {  	s28 =	simm.s32 $0x4680;
	s30 =	simm.s32 $0x4D00;
	s31 =	simm.s32 $0x6080  }
0x5: {  	s29 =	simm.s32 $0x6700;
	s4 =	sand.u32 $0x1, s3;
	[smem:$0x7FF] =	sst s2  }
0x6: {  	s24 =	sshll.u32 s9, $0xA;
	s18 =	smul.u32 $0x34000, s9;
	s5 =	sshll.u32 s4, $0x9  }
0x7: {  	s9 =	simm.s32 $0x4;
	_ =	strace $0x80000047;
	s5 =	sor.u32 s5, s24  }
0x8: {  	s6 =	ssub.s32 $0x2, s4;
	s4 =	smul.u32 $0x1A000, s4;
	s3 =	sshll.u32 s5, $0x2  }
0x9: {  	s25 =	sshrl.u32 s6, $0x1;
	s7 =	smul.u32 $0xD0, s5;
	s8 =	sadd.s32 s3, s0  }
0xa: {  	s5 =	smul.u32 $0x680, s5;
	s3 =	sadd.s32 $0x10800, s0;
	s10 =	sadd.s32 $0x800, s8  }
0xb: {  	s0 =	ssub.s32 s6, s25;
	s26 =	sadd.s32 s1, s7;
	[dreg:$0x4] =	wrdreg s10  }
0xc: {  	s5 =	sshrl.u32 s5, $0x3;
	s0 =	smax.u32 s0, $0x1;
	[dreg:$0x3] =	wrdreg s26  }
0xd: {  	s7 =	simm.s32 $0x3;
	s11 =	sadd.s32 $0xD0, s26;
	[dreg:$0x14] =	wrdreg s0  }
0xe: {  	s8 =	simm.s32 $0x9;
	s12 =	sadd.s32 $0x1A0, s26;
	[dreg:$0x5] =	wrdreg s11  }
0xf: {  	s13 =	sadd.s32 $0x270, s26;
	s14 =	sadd.s32 $0x340, s26;
	[dreg:$0x6] =	wrdreg s12  }
0x10: {  	s15 =	sadd.s32 $0x410, s26;
	s16 =	sadd.s32 $0x4E0, s26;
	[dreg:$0x7] =	wrdreg s13  }
0x11: {  	s5 =	sadd.s32 s1, s5;
	s6 =	sadd.s32 $0x5B0, s26;
	[dreg:$0x8] =	wrdreg s14  }
0x12: {  	s1 =	sadd.s32 s18, s1;
	s0 =	simm.s32 $0x5380;
	[dreg:$0x9] =	wrdreg s15  }
0x13: {  	s10 =	simm.s32 $0xA;
	s18 =	simm.s32 $0xE;
	[dreg:$0xa] =	wrdreg s16  }
0x14: {  	[dreg:$0xb] =	wrdreg s6;
	s17 =	sadd.s32 $0x19980, s5;
	s19 =	sadd.s32 $0x19A50, s5  }
0x15: {  	s20 =	sadd.s32 $0x19B20, s5;
	s21 =	sadd.s32 $0x19BF0, s5;
	[dreg:$0xc] =	wrdreg s17  }
0x16: {  	s22 =	sadd.s32 $0x19CC0, s5;
	s23 =	sadd.s32 $0x19D90, s5;
	[dreg:$0xd] =	wrdreg s19  }
0x17: {  	s24 =	sadd.s32 $0x19E60, s5;
	s1 =	sadd.s32 s4, s1;
	[dreg:$0xe] =	wrdreg s20  }
0x18: {  	s25 =	sadd.s32 $0x19F30, s5;
	s5 =	simm.s32 $0x2;
	[dreg:$0xf] =	wrdreg s21  }
0x19: {  	s6 =	simm.s32 $0x6D80;
	s11 =	simm.s32 $0x5;
	[dreg:$0x10] =	wrdreg s22  }
0x1a: {  	s12 =	simm.s32 $0xB;
	s13 =	simm.s32 $0x6;
	[dreg:$0x11] =	wrdreg s23  }
0x1b: {  	s14 =	simm.s32 $0xC;
	s15 =	simm.s32 $0x7;
	[dreg:$0x12] =	wrdreg s24  }
0x1c: {  	s16 =	simm.s32 $0xD;
	[dreg:$0x13] =	wrdreg s25;
	s26 =	sadd.s32 $0x680, s1  }
0x1d: {  	s24 =	simm.s32 $0x1A;
	s25 =	simm.s32 $0x4000;
	s1 =	simm.s32 $0x1  }
0x1e: {  	s17 =	simm.s32 $0x8;
	s19 =	simm.s32 $0xF;
	s20 =	simm.s32 $0x10  }
0x1f: {  	s21 =	simm.s32 $0x0;
	[dreg:$0x15] =	wrdreg s26;
	s26 =	simm.s32 $0x5A00  }
.LBB2_1:
0x20: {  	[dreg:$0x16] =	wrdreg s21  }
0x21: {  	s4 =	rddreg [dreg:$0x4];
	s23 =	simm.s32 $0x11  }
0x22: {  	[tilespmem:s2], [sflag:$0x11] =	stream.linear.gather [hbm4b:s4+s2], $0x4000, $0x38;
	[tilespmem:$0x7400] =	vst v63  }
0x23: {  	_ =	swait.ge [sflag:s23], $0x4000  }
0x24: {  	[sflag:s23] =	ssyncset.done $0x0  }
0x25: {  	[sflag:s23] =	ssyncadd.s32 $0xFFFFC000  }
0x26: {  	[tilespmem:s25], [sflag:$0x1] =	stream.indirect.gather [hbm4b:s3+s24], $0x40, s2, s24, $0xb8;
	[tilespmem:$0x7400] =	vst v63  }
0x27: {  	s21 =	simm.s32 $0x20  }
0x28: {  	[tilespmem:s28], [sflag:$0x2] =	stream.indirect.gather [hbm4b:s3+s24], $0x40, s21, s24, $0xb8;
	[tilespmem:$0x7400] =	vst v63  }
0x29: {  	s22 =	simm.s32 $0x40  }
0x2a: {  	[tilespmem:s30], [sflag:$0x3] =	stream.indirect.gather [hbm4b:s3+s24], $0x40, s22, s24, $0xb8;
	[tilespmem:$0x7400] =	vst v63  }
0x2b: {  	s23 =	simm.s32 $0x60  }
0x2c: {  	[tilespmem:s0], [sflag:$0x4] =	stream.indirect.gather [hbm4b:s3+s24], $0x40, s23, s24, $0xb8;
	[tilespmem:$0x7400] =	vst v63  }
0x2d: {  	s21 =	simm.s32 $0x80  }
0x2e: {  	[tilespmem:s26], [sflag:$0x5] =	stream.indirect.gather [hbm4b:s3+s24], $0x40, s21, s24, $0xb8;
	[tilespmem:$0x7400] =	vst v63  }
0x2f: {  	s22 =	simm.s32 $0xA0  }
0x30: {  	[tilespmem:s31], [sflag:$0x6] =	stream.indirect.gather [hbm4b:s3+s24], $0x40, s22, s24, $0xb8;
	[tilespmem:$0x7400] =	vst v63  }
0x31: {  	_ =	swait.ge [sflag:s1], $0x680  }
0x32: {  	[sflag:s1] =	ssyncset.done $0x0  }
0x33: {  	s23 =	rddreg [dreg:$0x3];
	[sflag:s1] =	ssyncadd.s32 $0xFFFFF980  }
0x34: {  	[hbm4b:s23+s2] =	stream.linear.scatter [tilespmem:s25], [sflag:$0x9], $0x680, $0x38;
	[tilespmem:$0x7400] =	vst v63  }
0x35: {  	s21 =	simm.s32 $0xC0  }
0x36: {  	[tilespmem:s29], [sflag:$0x7] =	stream.indirect.gather [hbm4b:s3+s24], $0x40, s21, s24, $0xb8;
	[tilespmem:$0x7400] =	vst v63  }
0x37: {  	_ =	swait.ge [sflag:s5], $0x680  }
0x38: {  	[sflag:s5] =	ssyncset.done $0x0  }
0x39: {  	s22 =	rddreg [dreg:$0x5];
	[sflag:s5] =	ssyncadd.s32 $0xFFFFF980  }
0x3a: {  	[hbm4b:s22+s2] =	stream.linear.scatter [tilespmem:s28], [sflag:$0xA], $0x680, $0x38;
	[tilespmem:$0x7400] =	vst v63  }
0x3b: {  	s23 =	simm.s32 $0xE0  }
0x3c: {  	[tilespmem:s6], [sflag:$0x8] =	stream.indirect.gather [hbm4b:s3+s24], $0x40, s23, s24, $0xb8;
	[tilespmem:$0x7400] =	vst v63  }
0x3d: {  	_ =	swait.ge [sflag:s7], $0x680  }
0x3e: {  	[sflag:s7] =	ssyncset.done $0x0  }
0x3f: {  	s21 =	rddreg [dreg:$0x6];
	[sflag:s7] =	ssyncadd.s32 $0xFFFFF980  }
0x40: {  	[hbm4b:s21+s2] =	stream.linear.scatter [tilespmem:s30], [sflag:$0xB], $0x680, $0x38;
	[tilespmem:$0x7400] =	vst v63  }
0x41: {  	_ =	swait.ge [sflag:s8], $0x680  }
0x42: {  	[sflag:s8] =	ssyncset.done $0x0  }
0x43: {  	s22 =	simm.s32 $0x100;
	[sflag:s8] =	ssyncadd.s32 $0xFFFFF980  }
0x44: {  	[tilespmem:s25], [sflag:$0x1] =	stream.indirect.gather [hbm4b:s3+s24], $0x40, s22, s24, $0xb8;
	[tilespmem:$0x7400] =	vst v63  }
0x45: {  	_ =	swait.ge [sflag:s9], $0x680  }
0x46: {  	[sflag:s9] =	ssyncset.done $0x0  }
0x47: {  	s23 =	rddreg [dreg:$0x7];
	[sflag:s9] =	ssyncadd.s32 $0xFFFFF980  }
0x48: {  	[hbm4b:s23+s2] =	stream.linear.scatter [tilespmem:s0], [sflag:$0xC], $0x680, $0x38;
	[tilespmem:$0x7400] =	vst v63  }
0x49: {  	_ =	swait.ge [sflag:s10], $0x680  }
0x4a: {  	[sflag:s10] =	ssyncset.done $0x0  }
0x4b: {  	s21 =	simm.s32 $0x120;
	[sflag:s10] =	ssyncadd.s32 $0xFFFFF980  }
0x4c: {  	[tilespmem:s28], [sflag:$0x2] =	stream.indirect.gather [hbm4b:s3+s24], $0x40, s21, s24, $0xb8;
	[tilespmem:$0x7400] =	vst v63  }
0x4d: {  	_ =	swait.ge [sflag:s11], $0x680  }
0x4e: {  	[sflag:s11] =	ssyncset.done $0x0  }
0x4f: {  	s22 =	rddreg [dreg:$0x8];
	[sflag:s11] =	ssyncadd.s32 $0xFFFFF980  }
0x50: {  	[hbm4b:s22+s2] =	stream.linear.scatter [tilespmem:s26], [sflag:$0xD], $0x680, $0x38;
	[tilespmem:$0x7400] =	vst v63  }
0x51: {  	_ =	swait.ge [sflag:s12], $0x680  }
0x52: {  	[sflag:s12] =	ssyncset.done $0x0  }
0x53: {  	s23 =	simm.s32 $0x140;
	[sflag:s12] =	ssyncadd.s32 $0xFFFFF980  }
0x54: {  	[tilespmem:s30], [sflag:$0x3] =	stream.indirect.gather [hbm4b:s3+s24], $0x40, s23, s24, $0xb8;
	[tilespmem:$0x7400] =	vst v63  }
0x55: {  	_ =	swait.ge [sflag:s13], $0x680  }
0x56: {  	[sflag:s13] =	ssyncset.done $0x0  }
0x57: {  	s21 =	rddreg [dreg:$0x9];
	[sflag:s13] =	ssyncadd.s32 $0xFFFFF980  }
0x58: {  	[hbm4b:s21+s2] =	stream.linear.scatter [tilespmem:s31], [sflag:$0xE], $0x680, $0x38;
	[tilespmem:$0x7400] =	vst v63  }
0x59: {  	_ =	swait.ge [sflag:s14], $0x680  }
0x5a: {  	[sflag:s14] =	ssyncset.done $0x0  }
0x5b: {  	s22 =	simm.s32 $0x160;
	[sflag:s14] =	ssyncadd.s32 $0xFFFFF980  }
0x5c: {  	[tilespmem:s0], [sflag:$0x4] =	stream.indirect.gather [hbm4b:s3+s24], $0x40, s22, s24, $0xb8;
	[tilespmem:$0x7400] =	vst v63  }
0x5d: {  	_ =	swait.ge [sflag:s15], $0x680  }
0x5e: {  	[sflag:s15] =	ssyncset.done $0x0  }
0x5f: {  	s23 =	rddreg [dreg:$0xa];
	[sflag:s15] =	ssyncadd.s32 $0xFFFFF980  }
0x60: {  	[hbm4b:s23+s2] =	stream.linear.scatter [tilespmem:s29], [sflag:$0xF], $0x680, $0x38;
	[tilespmem:$0x7400] =	vst v63  }
0x61: {  	_ =	swait.ge [sflag:s16], $0x680  }
0x62: {  	[sflag:s16] =	ssyncset.done $0x0  }
0x63: {  	s21 =	simm.s32 $0x180;
	[sflag:s16] =	ssyncadd.s32 $0xFFFFF980  }
0x64: {  	[tilespmem:s26], [sflag:$0x5] =	stream.indirect.gather [hbm4b:s3+s24], $0x40, s21, s24, $0xb8;
	[tilespmem:$0x7400] =	vst v63  }
0x65: {  	_ =	swait.ge [sflag:s17], $0x680  }
0x66: {  	[sflag:s17] =	ssyncset.done $0x0  }
0x67: {  	s22 =	rddreg [dreg:$0xb];
	[sflag:s17] =	ssyncadd.s32 $0xFFFFF980  }
0x68: {  	[hbm4b:s22+s2] =	stream.linear.scatter [tilespmem:s6], [sflag:$0x10], $0x680, $0x38;
	[tilespmem:$0x7400] =	vst v63  }
0x69: {  	_ =	swait.ge [sflag:s18], $0x680  }
0x6a: {  	[sflag:s18] =	ssyncset.done $0x0  }
0x6b: {  	s23 =	simm.s32 $0x1A0;
	[sflag:s18] =	ssyncadd.s32 $0xFFFFF980  }
0x6c: {  	[tilespmem:s31], [sflag:$0x6] =	stream.indirect.gather [hbm4b:s3+s24], $0x40, s23, s24, $0xb8;
	[tilespmem:$0x7400] =	vst v63  }
0x6d: {  	_ =	swait.ge [sflag:s1], $0x680  }
0x6e: {  	[sflag:s1] =	ssyncset.done $0x0  }
0x6f: {  	s22 =	rddreg [dreg:$0x15];
	[sflag:s1] =	ssyncadd.s32 $0xFFFFF980  }
0x70: {  	[hbm4b:s22+s2] =	stream.linear.scatter [tilespmem:s25], [sflag:$0x9], $0x680, $0x38;
	[tilespmem:$0x7400] =	vst v63  }
0x71: {  	_ =	swait.ge [sflag:s19], $0x680  }
0x72: {  	[sflag:s19] =	ssyncset.done $0x0  }
0x73: {  	s21 =	simm.s32 $0x1C0;
	[sflag:s19] =	ssyncadd.s32 $0xFFFFF980  }
0x74: {  	[tilespmem:s29], [sflag:$0x7] =	stream.indirect.gather [hbm4b:s3+s24], $0x40, s21, s24, $0xb8;
	[tilespmem:$0x7400] =	vst v63  }
0x75: {  	_ =	swait.ge [sflag:s5], $0x680  }
0x76: {  	[sflag:s5] =	ssyncset.done $0x0  }
0x77: {  	s23 =	sadd.s32 $0xD0, s22;
	[sflag:s5] =	ssyncadd.s32 $0xFFFFF980  }
0x78: {  	[hbm4b:s23+s2] =	stream.linear.scatter [tilespmem:s28], [sflag:$0xA], $0x680, $0x38;
	[tilespmem:$0x7400] =	vst v63  }
0x79: {  	_ =	swait.ge [sflag:s20], $0x680  }
0x7a: {  	[sflag:s20] =	ssyncset.done $0x0  }
0x7b: {  	s21 =	simm.s32 $0x1E0;
	[sflag:s20] =	ssyncadd.s32 $0xFFFFF980  }
0x7c: {  	[tilespmem:s6], [sflag:$0x8] =	stream.indirect.gather [hbm4b:s3+s24], $0x40, s21, s24, $0xb8;
	[tilespmem:$0x7400] =	vst v63  }
0x7d: {  	_ =	swait.ge [sflag:s7], $0x680  }
0x7e: {  	[sflag:s7] =	ssyncset.done $0x0  }
0x7f: {  	s23 =	sadd.s32 $0x1A0, s22;
	[sflag:s7] =	ssyncadd.s32 $0xFFFFF980  }
0x80: {  	[hbm4b:s23+s2] =	stream.linear.scatter [tilespmem:s30], [sflag:$0xB], $0x680, $0x38;
	[tilespmem:$0x7400] =	vst v63  }
0x81: {  	_ =	swait.ge [sflag:s8], $0x680  }
0x82: {  	[sflag:s8] =	ssyncset.done $0x0  }
0x83: {  	s21 =	simm.s32 $0x200;
	[sflag:s8] =	ssyncadd.s32 $0xFFFFF980  }
0x84: {  	[tilespmem:s25], [sflag:$0x1] =	stream.indirect.gather [hbm4b:s3+s24], $0x40, s21, s24, $0xb8;
	[tilespmem:$0x7400] =	vst v63  }
0x85: {  	_ =	swait.ge [sflag:s9], $0x680  }
0x86: {  	[sflag:s9] =	ssyncset.done $0x0  }
0x87: {  	s23 =	sadd.s32 $0x270, s22;
	[sflag:s9] =	ssyncadd.s32 $0xFFFFF980  }
0x88: {  	[hbm4b:s23+s2] =	stream.linear.scatter [tilespmem:s0], [sflag:$0xC], $0x680, $0x38;
	[tilespmem:$0x7400] =	vst v63  }
0x89: {  	_ =	swait.ge [sflag:s10], $0x680  }
0x8a: {  	[sflag:s10] =	ssyncset.done $0x0  }
0x8b: {  	s21 =	simm.s32 $0x220;
	[sflag:s10] =	ssyncadd.s32 $0xFFFFF980  }
0x8c: {  	[tilespmem:s28], [sflag:$0x2] =	stream.indirect.gather [hbm4b:s3+s24], $0x40, s21, s24, $0xb8;
	[tilespmem:$0x7400] =	vst v63  }
0x8d: {  	_ =	swait.ge [sflag:s11], $0x680  }
0x8e: {  	[sflag:s11] =	ssyncset.done $0x0  }
0x8f: {  	s23 =	sadd.s32 $0x340, s22;
	[sflag:s11] =	ssyncadd.s32 $0xFFFFF980  }
0x90: {  	[hbm4b:s23+s2] =	stream.linear.scatter [tilespmem:s26], [sflag:$0xD], $0x680, $0x38;
	[tilespmem:$0x7400] =	vst v63  }
0x91: {  	_ =	swait.ge [sflag:s12], $0x680  }
0x92: {  	[sflag:s12] =	ssyncset.done $0x0  }
0x93: {  	s21 =	simm.s32 $0x240;
	[sflag:s12] =	ssyncadd.s32 $0xFFFFF980  }
0x94: {  	[tilespmem:s30], [sflag:$0x3] =	stream.indirect.gather [hbm4b:s3+s24], $0x40, s21, s24, $0xb8;
	[tilespmem:$0x7400] =	vst v63  }
0x95: {  	_ =	swait.ge [sflag:s13], $0x680  }
0x96: {  	[sflag:s13] =	ssyncset.done $0x0  }
0x97: {  	s23 =	sadd.s32 $0x410, s22;
	[sflag:s13] =	ssyncadd.s32 $0xFFFFF980  }
0x98: {  	[hbm4b:s23+s2] =	stream.linear.scatter [tilespmem:s31], [sflag:$0xE], $0x680, $0x38;
	[tilespmem:$0x7400] =	vst v63  }
0x99: {  	_ =	swait.ge [sflag:s14], $0x680  }
0x9a: {  	[sflag:s14] =	ssyncset.done $0x0  }
0x9b: {  	s21 =	simm.s32 $0x260;
	[sflag:s14] =	ssyncadd.s32 $0xFFFFF980  }
0x9c: {  	[tilespmem:s0], [sflag:$0x4] =	stream.indirect.gather [hbm4b:s3+s24], $0x40, s21, s24, $0xb8;
	[tilespmem:$0x7400] =	vst v63  }
0x9d: {  	_ =	swait.ge [sflag:s15], $0x680  }
0x9e: {  	[sflag:s15] =	ssyncset.done $0x0  }
0x9f: {  	s23 =	sadd.s32 $0x4E0, s22;
	[sflag:s15] =	ssyncadd.s32 $0xFFFFF980  }
0xa0: {  	[hbm4b:s23+s2] =	stream.linear.scatter [tilespmem:s29], [sflag:$0xF], $0x680, $0x38;
	[tilespmem:$0x7400] =	vst v63  }
0xa1: {  	_ =	swait.ge [sflag:s16], $0x680  }
0xa2: {  	[sflag:s16] =	ssyncset.done $0x0  }
0xa3: {  	s21 =	simm.s32 $0x280;
	[sflag:s16] =	ssyncadd.s32 $0xFFFFF980  }
0xa4: {  	[tilespmem:s26], [sflag:$0x5] =	stream.indirect.gather [hbm4b:s3+s24], $0x40, s21, s24, $0xb8;
	[tilespmem:$0x7400] =	vst v63  }
0xa5: {  	_ =	swait.ge [sflag:s17], $0x680  }
0xa6: {  	[sflag:s17] =	ssyncset.done $0x0  }
0xa7: {  	s23 =	sadd.s32 $0x5B0, s22;
	[sflag:s17] =	ssyncadd.s32 $0xFFFFF980  }
0xa8: {  	[hbm4b:s23+s2] =	stream.linear.scatter [tilespmem:s6], [sflag:$0x10], $0x680, $0x38;
	[tilespmem:$0x7400] =	vst v63  }
0xa9: {  	_ =	swait.ge [sflag:s18], $0x680  }
0xaa: {  	s4 =	simm.s32 $0x400;
	[sflag:s18] =	ssyncset.done $0x0  }
0xab: {  	s21 =	simm.s32 $0x2A0;
	s23 =	sadd.s32 $0x680, s22;
	[sflag:s18] =	ssyncadd.s32 $0xFFFFF980  }
.LBB2_2:
0xac: {  	[tilespmem:s31], [sflag:$0x6] =	stream.indirect.gather [hbm4b:s3+s24], $0x40, s21, s24, $0xb8;
	[tilespmem:$0x7400] =	vst v63  }
0xad: {  	s21 =	smov.u32 s4  }
0xae: {  	p0 =	sne.s32 s4, $0xF400;
	s4 =	sadd.s32 $0x400, s4;
	_ =	swait.ge [sflag:s1], $0x680  }
0xaf: {  	[sflag:s1] =	ssyncset.done $0x0  }
0xb0: {  	[sflag:s1] =	ssyncadd.s32 $0xFFFFF980  }
0xb1: {  	[hbm4b:s23+s2] =	stream.linear.scatter [tilespmem:s25], [sflag:$0x9], $0x680, $0x38;
	[tilespmem:$0x7400] =	vst v63  }
0xb2: {  	_ =	swait.ge [sflag:s19], $0x680  }
0xb3: {  	s21 =	sshra.s32 s21, $0x2;
	[sflag:s19] =	ssyncset.done $0x0  }
0xb4: {  	s22 =	sadd.s32 $0x1C0, s21;
	[sflag:s19] =	ssyncadd.s32 $0xFFFFF980  }
0xb5: {  	[tilespmem:s29], [sflag:$0x7] =	stream.indirect.gather [hbm4b:s3+s24], $0x40, s22, s24, $0xb8;
	[tilespmem:$0x7400] =	vst v63  }
0xb6: {  	_ =	swait.ge [sflag:s5], $0x680  }
0xb7: {  	[sflag:s5] =	ssyncset.done $0x0  }
0xb8: {  	s22 =	sadd.s32 $0xD0, s23;
	[sflag:s5] =	ssyncadd.s32 $0xFFFFF980  }
0xb9: {  	[hbm4b:s22+s2] =	stream.linear.scatter [tilespmem:s28], [sflag:$0xA], $0x680, $0x38;
	[tilespmem:$0x7400] =	vst v63  }
0xba: {  	_ =	swait.ge [sflag:s20], $0x680  }
0xbb: {  	[sflag:s20] =	ssyncset.done $0x0  }
0xbc: {  	s22 =	sadd.s32 $0x1E0, s21;
	[sflag:s20] =	ssyncadd.s32 $0xFFFFF980  }
0xbd: {  	[tilespmem:s6], [sflag:$0x8] =	stream.indirect.gather [hbm4b:s3+s24], $0x40, s22, s24, $0xb8;
	[tilespmem:$0x7400] =	vst v63  }
0xbe: {  	_ =	swait.ge [sflag:s7], $0x680  }
0xbf: {  	[sflag:s7] =	ssyncset.done $0x0  }
0xc0: {  	s22 =	sadd.s32 $0x1A0, s23;
	[sflag:s7] =	ssyncadd.s32 $0xFFFFF980  }
0xc1: {  	[hbm4b:s22+s2] =	stream.linear.scatter [tilespmem:s30], [sflag:$0xB], $0x680, $0x38;
	[tilespmem:$0x7400] =	vst v63  }
0xc2: {  	_ =	swait.ge [sflag:s8], $0x680  }
0xc3: {  	[sflag:s8] =	ssyncset.done $0x0  }
0xc4: {  	s22 =	sadd.s32 $0x200, s21;
	[sflag:s8] =	ssyncadd.s32 $0xFFFFF980  }
0xc5: {  	[tilespmem:s25], [sflag:$0x1] =	stream.indirect.gather [hbm4b:s3+s24], $0x40, s22, s24, $0xb8;
	[tilespmem:$0x7400] =	vst v63  }
0xc6: {  	_ =	swait.ge [sflag:s9], $0x680  }
0xc7: {  	[sflag:s9] =	ssyncset.done $0x0  }
0xc8: {  	s22 =	sadd.s32 $0x270, s23;
	[sflag:s9] =	ssyncadd.s32 $0xFFFFF980  }
0xc9: {  	[hbm4b:s22+s2] =	stream.linear.scatter [tilespmem:s0], [sflag:$0xC], $0x680, $0x38;
	[tilespmem:$0x7400] =	vst v63  }
0xca: {  	_ =	swait.ge [sflag:s10], $0x680  }
0xcb: {  	[sflag:s10] =	ssyncset.done $0x0  }
0xcc: {  	s22 =	sadd.s32 $0x220, s21;
	[sflag:s10] =	ssyncadd.s32 $0xFFFFF980  }
0xcd: {  	[tilespmem:s28], [sflag:$0x2] =	stream.indirect.gather [hbm4b:s3+s24], $0x40, s22, s24, $0xb8;
	[tilespmem:$0x7400] =	vst v63  }
0xce: {  	_ =	swait.ge [sflag:s11], $0x680  }
0xcf: {  	[sflag:s11] =	ssyncset.done $0x0  }
0xd0: {  	s22 =	sadd.s32 $0x340, s23;
	[sflag:s11] =	ssyncadd.s32 $0xFFFFF980  }
0xd1: {  	[hbm4b:s22+s2] =	stream.linear.scatter [tilespmem:s26], [sflag:$0xD], $0x680, $0x38;
	[tilespmem:$0x7400] =	vst v63  }
0xd2: {  	_ =	swait.ge [sflag:s12], $0x680  }
0xd3: {  	[sflag:s12] =	ssyncset.done $0x0  }
0xd4: {  	s22 =	sadd.s32 $0x240, s21;
	[sflag:s12] =	ssyncadd.s32 $0xFFFFF980  }
0xd5: {  	[tilespmem:s30], [sflag:$0x3] =	stream.indirect.gather [hbm4b:s3+s24], $0x40, s22, s24, $0xb8;
	[tilespmem:$0x7400] =	vst v63  }
0xd6: {  	_ =	swait.ge [sflag:s13], $0x680  }
0xd7: {  	[sflag:s13] =	ssyncset.done $0x0  }
0xd8: {  	s22 =	sadd.s32 $0x410, s23;
	[sflag:s13] =	ssyncadd.s32 $0xFFFFF980  }
0xd9: {  	[hbm4b:s22+s2] =	stream.linear.scatter [tilespmem:s31], [sflag:$0xE], $0x680, $0x38;
	[tilespmem:$0x7400] =	vst v63  }
0xda: {  	_ =	swait.ge [sflag:s14], $0x680  }
0xdb: {  	[sflag:s14] =	ssyncset.done $0x0  }
0xdc: {  	s22 =	sadd.s32 $0x260, s21;
	[sflag:s14] =	ssyncadd.s32 $0xFFFFF980  }
0xdd: {  	[tilespmem:s0], [sflag:$0x4] =	stream.indirect.gather [hbm4b:s3+s24], $0x40, s22, s24, $0xb8;
	[tilespmem:$0x7400] =	vst v63  }
0xde: {  	_ =	swait.ge [sflag:s15], $0x680  }
0xdf: {  	[sflag:s15] =	ssyncset.done $0x0  }
0xe0: {  	s22 =	sadd.s32 $0x4E0, s23;
	[sflag:s15] =	ssyncadd.s32 $0xFFFFF980  }
0xe1: {  	[hbm4b:s22+s2] =	stream.linear.scatter [tilespmem:s29], [sflag:$0xF], $0x680, $0x38;
	[tilespmem:$0x7400] =	vst v63  }
0xe2: {  	_ =	swait.ge [sflag:s16], $0x680  }
0xe3: {  	[sflag:s16] =	ssyncset.done $0x0  }
0xe4: {  	s22 =	sadd.s32 $0x280, s21;
	[sflag:s16] =	ssyncadd.s32 $0xFFFFF980  }
0xe5: {  	[tilespmem:s26], [sflag:$0x5] =	stream.indirect.gather [hbm4b:s3+s24], $0x40, s22, s24, $0xb8;
	[tilespmem:$0x7400] =	vst v63  }
0xe6: {  	_ =	swait.ge [sflag:s17], $0x680  }
0xe7: {  	[sflag:s17] =	ssyncset.done $0x0  }
.Ltmp0:
0xe8: {  	s22 =	sadd.s32 $0x5B0, s23;
	[sflag:s17] =	ssyncadd.s32 $0xFFFFF980;
	(pc) =	sbr.rel @p0 .LBB2_2-.Ltmp0, $4  }
0xe9: {  	[hbm4b:s22+s2] =	stream.linear.scatter [tilespmem:s6], [sflag:$0x10], $0x680, $0x38;
	[tilespmem:$0x7400] =	vst v63  }
0xea: {  	_ =	swait.ge [sflag:s18], $0x680  }
0xeb: {  	[sflag:s18] =	ssyncset.done $0x0  }
0xec: {  	s21 =	sadd.s32 $0x2A0, s21;
	s23 =	sadd.s32 $0x680, s23;
	[sflag:s18] =	ssyncadd.s32 $0xFFFFF980  }
0xed: {  	[tilespmem:s31], [sflag:$0x6] =	stream.indirect.gather [hbm4b:s3+s24], $0x40, s21, s24, $0xb8;
	[tilespmem:$0x7400] =	vst v63  }
0xee: {  	_ =	swait.ge [sflag:s1], $0x680  }
0xef: {  	[sflag:s1] =	ssyncset.done $0x0  }
0xf0: {  	s4 =	rddreg [dreg:$0xc];
	[sflag:s1] =	ssyncadd.s32 $0xFFFFF980  }
0xf1: {  	[hbm4b:s4+s2] =	stream.linear.scatter [tilespmem:s25], [sflag:$0x9], $0x680, $0x38;
	[tilespmem:$0x7400] =	vst v63  }
0xf2: {  	_ =	swait.ge [sflag:s19], $0x680  }
0xf3: {  	[sflag:s19] =	ssyncset.done $0x0  }
0xf4: {  	s22 =	simm.s32 $0x3FC0;
	[sflag:s19] =	ssyncadd.s32 $0xFFFFF980  }
0xf5: {  	[tilespmem:s29], [sflag:$0x7] =	stream.indirect.gather [hbm4b:s3+s24], $0x40, s22, s24, $0xb8;
	[tilespmem:$0x7400] =	vst v63  }
0xf6: {  	_ =	swait.ge [sflag:s5], $0x680  }
0xf7: {  	[sflag:s5] =	ssyncset.done $0x0  }
0xf8: {  	s23 =	rddreg [dreg:$0xd];
	[sflag:s5] =	ssyncadd.s32 $0xFFFFF980  }
0xf9: {  	[hbm4b:s23+s2] =	stream.linear.scatter [tilespmem:s28], [sflag:$0xA], $0x680, $0x38;
	[tilespmem:$0x7400] =	vst v63  }
0xfa: {  	_ =	swait.ge [sflag:s20], $0x680  }
0xfb: {  	[sflag:s20] =	ssyncset.done $0x0  }
0xfc: {  	s21 =	simm.s32 $0x3FE0;
	[sflag:s20] =	ssyncadd.s32 $0xFFFFF980  }
0xfd: {  	[tilespmem:s6], [sflag:$0x8] =	stream.indirect.gather [hbm4b:s3+s24], $0x40, s21, s24, $0xb8;
	[tilespmem:$0x7400] =	vst v63  }
0xfe: {  	_ =	swait.ge [sflag:s7], $0x680  }
0xff: {  	[sflag:s7] =	ssyncset.done $0x0  }
0x100: {  	s22 =	rddreg [dreg:$0xe];
	[sflag:s7] =	ssyncadd.s32 $0xFFFFF980  }
0x101: {  	[hbm4b:s22+s2] =	stream.linear.scatter [tilespmem:s30], [sflag:$0xB], $0x680, $0x38;
	[tilespmem:$0x7400] =	vst v63  }
0x102: {  	_ =	swait.ge [sflag:s9], $0x680  }
0x103: {  	[sflag:s9] =	ssyncset.done $0x0  }
0x104: {  	s23 =	rddreg [dreg:$0xf];
	[sflag:s9] =	ssyncadd.s32 $0xFFFFF980  }
0x105: {  	[hbm4b:s23+s2] =	stream.linear.scatter [tilespmem:s0], [sflag:$0xC], $0x680, $0x38;
	[tilespmem:$0x7400] =	vst v63  }
0x106: {  	_ =	swait.ge [sflag:s11], $0x680  }
0x107: {  	[sflag:s11] =	ssyncset.done $0x0  }
0x108: {  	s21 =	rddreg [dreg:$0x10];
	[sflag:s11] =	ssyncadd.s32 $0xFFFFF980  }
0x109: {  	[hbm4b:s21+s2] =	stream.linear.scatter [tilespmem:s26], [sflag:$0xD], $0x680, $0x38;
	[tilespmem:$0x7400] =	vst v63  }
0x10a: {  	_ =	swait.ge [sflag:s13], $0x680  }
0x10b: {  	[sflag:s13] =	ssyncset.done $0x0  }
0x10c: {  	s22 =	rddreg [dreg:$0x11];
	[sflag:s13] =	ssyncadd.s32 $0xFFFFF980  }
0x10d: {  	[hbm4b:s22+s2] =	stream.linear.scatter [tilespmem:s31], [sflag:$0xE], $0x680, $0x38;
	[tilespmem:$0x7400] =	vst v63  }
0x10e: {  	_ =	swait.ge [sflag:s15], $0x680  }
0x10f: {  	[sflag:s15] =	ssyncset.done $0x0  }
0x110: {  	s23 =	rddreg [dreg:$0x12];
	[sflag:s15] =	ssyncadd.s32 $0xFFFFF980  }
0x111: {  	[hbm4b:s23+s2] =	stream.linear.scatter [tilespmem:s29], [sflag:$0xF], $0x680, $0x38;
	[tilespmem:$0x7400] =	vst v63  }
0x112: {  	_ =	swait.ge [sflag:s17], $0x680  }
0x113: {  	[sflag:s17] =	ssyncset.done $0x0  }
0x114: {  	s21 =	rddreg [dreg:$0x13];
	[sflag:s17] =	ssyncadd.s32 $0xFFFFF980  }
0x115: {  	[hbm4b:s21+s2] =	stream.linear.scatter [tilespmem:s6], [sflag:$0x10], $0x680, $0x38;
	[tilespmem:$0x7400] =	vst v63  }
0x116: {  	_ =	swait.ge [sflag:s8], $0x680  }
0x117: {  	[sflag:s8] =	ssyncset.done $0x0  }
0x118: {  	[sflag:s8] =	ssyncadd.s32 $0xFFFFF980  }
0x119: {  	_ =	swait.ge [sflag:s10], $0x680  }
0x11a: {  	[sflag:s10] =	ssyncset.done $0x0  }
0x11b: {  	[sflag:s10] =	ssyncadd.s32 $0xFFFFF980  }
0x11c: {  	_ =	swait.ge [sflag:s12], $0x680  }
0x11d: {  	[sflag:s12] =	ssyncset.done $0x0  }
0x11e: {  	[sflag:s12] =	ssyncadd.s32 $0xFFFFF980  }
0x11f: {  	_ =	swait.ge [sflag:s14], $0x680  }
0x120: {  	[sflag:s14] =	ssyncset.done $0x0  }
0x121: {  	[sflag:s14] =	ssyncadd.s32 $0xFFFFF980  }
0x122: {  	_ =	swait.ge [sflag:s16], $0x680  }
0x123: {  	[sflag:s16] =	ssyncset.done $0x0  }
0x124: {  	[sflag:s16] =	ssyncadd.s32 $0xFFFFF980  }
0x125: {  	_ =	swait.ge [sflag:s18], $0x680  }
0x126: {  	[sflag:s18] =	ssyncset.done $0x0  }
0x127: {  	[sflag:s18] =	ssyncadd.s32 $0xFFFFF980  }
0x128: {  	_ =	swait.ge [sflag:s19], $0x680  }
0x129: {  	[sflag:s19] =	ssyncset.done $0x0  }
0x12a: {  	[sflag:s19] =	ssyncadd.s32 $0xFFFFF980  }
0x12b: {  	_ =	swait.ge [sflag:s20], $0x680  }
0x12c: {  	s22 =	rddreg [dreg:$0x16]  }
0x12d: {  	s23 =	rddreg [dreg:$0x14];
	s21 =	sadd.s32 $0x1, s22  }
0x12e: {  	p0 =	sne.s32 s21, s23  }
.Ltmp1:
0x12f: {  	_ = 	snop;
	(pc) =	sbr.rel @p0 .LBB2_1-.Ltmp1, $3  }
0x130: {  	_ =	sdelay $0x1  }
0x131: {  	[sflag:s20] =	ssyncset.done $0x0  }
0x132: {  	[sflag:s20] =	ssyncadd.s32 $0xFFFFF980  }
0x133: {  	_ =	sfence.sel $0x180000  }
0x134: {  	[bflag:$0x0] =	sbarrier.arrive $0xFFFF  }
0x135: {  	_ =	strace $0x90000047  }
0x136: {  	s0 =	stileid.u32;
	[bflag:$0x2] =	sbarrier.arrive $0xFFFF  }
0x137: {  	p0 =	sne.s32 s0, $0x0;
	s0 =	rddreg [dreg:$0x2]  }
0x138: {  	s0 =	sadd.s32 @!p0 $0x100000, s0  }
0x139: {  	[sflag:s0] =	ssyncadd.tile.s32 @!p0 $0x1;
	_ =	shalt  }
.Lfunc_end2:
_tile_overlayer_lowered:
.L_overlay_start_2:
0x13a: {  	(tag) =	ssettag $0x2  }
0x13b: {  	s0 =	rddreg [dreg:$0x0];
	s2 =	stileid.u32  }
0x13c: {  	s1 =	rddreg [dreg:$0x1];
	p0 =	sne.s32 s2, $0x0  }
0x13d: {  	s3 =	rddreg [dreg:$0x2];
	[bflag:$0x3] =	sbarrier.arrive $0xFFFF;
	s2 =	simm.s32 @!p0 $0x1C11  }
0x13e: {  	[timem:s3], [sflag:s2] =	dma.local @!p0 [hbm:s0], s1  }
0x13f: {  	s0 =	simm.s32 @!p0 $0x11  }
0x140: {  	_ =	swait.ge @!p0 [sflag:s0], s1  }
0x141: {  	s1 =	ssub.s32 @!p0 $0x0, s1;
	[sflag:s0] =	ssyncset.done @!p0 $0x0  }
0x142: {  	[sflag:s0] =	ssyncadd.s32 @!p0 s1  }
0x143: {  	[bflag:$0x3] =	sbarrier.arrive $0xFFFF  }
0x144: {  	_ =	shalt  }

// kernel: sparse-core-data-format-call.cloned.1.call-start
scs
called_computation_lowered:
.L_overlay_start_0:
0x0: {  	s2 =	sld [smem:$0x3FD9]  }
0x1: {  	s3 =	sld [smem:$0x3FFE];
	_ =	sdelay $0x1  }
0x2: {  	s1 =	srdreg.scid  }
0x3: {  	s0 =	sand.u32 $0x1, s1  }
0x4: {  	s18 =	sshll.u32 s0, $0xA;
	s2 =	sadd.s32 s3, s2  }
0x5: {  	s2 =	sadd.s32 s2, s18  }
0x6: {  	[smem:$0x3FC6] =	sst s2  }
0x7: {  	_ = 	snop  }
0x8: {  	s2 =	sld [smem:$0x3FD0];
	(tm) =	ssettm $0x1  }
0x9: {  	s19 =	sld [smem:$0x3FFB];
	_ =	sdelay $0x3  }
0xa: {  	_ =	strace s19  }
0xb: {  	s3 =	sld [smem:$0x3FFC];
	_ =	sdelay $0x3  }
0xc: {  	_ =	strace s3  }
0xd: {  	s3 =	sld [smem:$0x3FFD];
	_ =	sdelay $0x3  }
0xe: {  	_ =	strace s3  }
0xf: {  	_ =	strace $0x8FFFFFFF  }
0x10: {  	s20 =	sld [smem:$0x3FDB];
	_ =	sdelay $0x1  }
0x11: {  	s4 =	simm.s32 $_scs_section_size  }
0x12: {  	s5 =	simm.s32 $_size__tile_overlayer_lowered;
	s6 =	simm.s32 $_tile_overlayer_lowered  }
0x13: {  	s23 =	simm.s32 $0x1BFF;
	s22 =	sshll.u32 s6, $0x1;
	s3 =	sadd.s32 s4, s20  }
0x14: {  	s7 =	simm.s32 $0x0;
	s21 =	sshll.u32 s5, $0x1;
	s5 =	sadd.s32 s22, s3  }
0x15: {  	[timem:s7], [sflag:s23] =	dma.local [hbm:s5], s21  }
0x16: {  	_ =	swait.ge [sflag:s23], s21  }
0x17: {  	s4 =	ssub.s32 $0x0, s21;
	[sflag:s23] =	ssyncset.done $0x0  }
0x18: {  	[sflag:s23] =	ssyncadd.s32 s4;
	_ =	sdelay $0x1  }
0x19: {  	s24 =	simm.s32 $0x1B8B  }
0x1a: {  	_ =	swait.ge [sflag:s24], $0x1  }
0x1b: {  	[sflag:s24] =	ssyncset.done $0x0  }
0x1c: {  	s26 =	simm.s32 $0x1B8E;
	s25 =	sld [smem:$0x3FFE];
	[sflag:s24] =	ssyncadd.s32 $0xFFFFFFFF  }
0x1d: {  	s27 =	simm.s32 $execute0_lowered;
	[smem:$0x3FD2] =	sst s26  }
0x1e: {  	s5 =	sshll.u32 s27, $0x1;
	_ =	strace $0x80000049;
	[dreg:$0x1] =	wrdreg $0xFFFFFFFF  }
0x1f: {  	s28 =	simm.s32 $_size_execute0_lowered;
	s3 =	sadd.s32 s3, s5;
	[dreg:$0x0] =	wrdreg $0x0  }
0x20: {  	s5 =	sshll.u32 s28, $0x1;
	[dreg:$0x2] =	wrdreg s3  }
0x21: {  	[dreg:$0x3] =	wrdreg s5  }
0x22: {  	[dreg:$0x4] =	wrdreg $0xC0  }
0x23: {  	_ =	task [dreg:s7], $0x5FFFF  }
0x24: {  	[dreg:$0x1] =	wrdreg $0xFFFFFFFF  }
0x25: {  	[dreg:$0x0] =	wrdreg $0x60  }
0x26: {  	[dreg:$0x2] =	wrdreg s25  }
0x27: {  	[dreg:$0x3] =	wrdreg s2  }
0x28: {  	[dreg:$0x4] =	wrdreg $0x9  }
0x29: {  	_ =	task.clear_ibuf [dreg:s7], $0x5FFFF;
	_ =	strace $0x90000049  }
0x2a: {  	s29 =	simm.s32 $0x9;
	_ =	strace $0x8000004B  }
0x2b: {  	_ =	swait.ge [sflag:s29], $0x1  }
0x2c: {  	[sflag:s29] =	ssyncadd.s32 $0xFFFFFFFF  }
0x2d: {  	_ =	strace $0x9000004B  }
0x2e: {  	_ =	sfence  }
0x2f: {  	s30 =	sld [smem:$0x0];
	_ =	sdelay $0x2  }
0x30: {  	s31 =	sshll.u32 s1, $0xD;
	s1 =	sshrl.u32 s1, $0x2  }
0x31: {  	s3 =	sand.u32 $0x4000, s31;
	s1 =	sadd.s32 s1, s30  }
0x32: {  	s0 =	sor.u32 s3, s0;
	s1 =	sshll.u32 s1, $0x11  }
0x33: {  	s0 =	sor.u32 s1, s0  }
0x34: {  	s0 =	sadd.s32 $0x8F2B, s0  }
0x35: {  	[sflag:s0] =	ssyncadd.remote.s32 $0x1  }
0x36: {  	_ =	sfence.sel $0xFFFF  }
0x37: {  	[dreg:$0x0] =	wrdreg $0xFFFFFFFF;
	(pc) =	sbr.abs _section_cstart, $3  }
0x38: {  	[dreg:$0x1] =	wrdreg $0xFFFFFFFF  }
0x39: {  	_ =	task.clear_ibuf [dreg:s7], $0x2FFFF;
	_ =	strace $0x9FFFFFFF  }
0x3a: {  	(tm) =	ssettm $0x7FFFFFFF  }
0x3b: {  	_ =	shalt  }
tec
execute0_lowered:
.L_overlay_start_1:
0x0: {  	(tag) =	ssettag $0x1  }
0x1: {  	s0 =	srdreg.scid  }
0x2: {  	s1 =	sshll.u32 s0, $0x4  }
0x3: {  	s0 =	stileid.u32;
	s1 =	sand.u32 $0x10, s1  }
0x4: {  	s1 =	sor.u32 s0, s1  }
0x5: {  	s6 =	rddreg [dreg:$0x0];
	s4 =	simm.s32 $0x1;
	s2 =	sshll.u32 s1, $0x7  }
0x6: {  	s7 =	simm.s32 $0x2;
	s12 =	simm.s32 $0x0;
	s1 =	ssub.s32 $0x4000, s2  }
0x7: {  	s8 =	simm.s32 $0x20000;
	s13 =	simm.s32 $0x0;
	s3 =	sand.u32 $0xF80, s1  }
0x8: {  	s9 =	simm.s32 $0x0;
	s5 =	sshrl.u32 s1, $0xC;
	p0 =	sne.s32 s3, $0x0  }
.Ltmp0:
0x9: {  	s1 =	rddreg [dreg:$0x2];
	s4 =	simm.s32 @!p0 $0x0;
	(pc) =	sbr.rel .LBB1_1-.Ltmp0, $4  }
0xa: {  	s11 =	simm.s32 $0x0;
	s3 =	rddreg [dreg:$0x1];
	s5 =	sadd.s32 s4, s5  }
0xb: {  	_ =	strace $0x8000004A;
	s4 =	simm.s32 $0x1;
	s5 =	smul.u32 $0x1A, s5  }
0xc: {  	s6 =	sadd.s32 $0x800, s6;
	s10 =	smov.u32 s2;
	[sflag:s4] =	ssyncpa.u1 $0x0  }
0xd: {  	p0 =	por $0x0, $0x0;
	[sflag:s7] =	ssyncpa.u1 $0x0;
	s7 =	sor.u32 $0x1, s5  }
.LBB1_4:
0xe: {  	s16 =	sshll.u32 s13, $0x3;
	s17 =	sand.u32 $0x78, s13  }
0xf: {  	s30 =	sand.u32 $0x1F800, s13;
	s12 =	sshll.u32 s12, $0x11;
	s16 =	sand.u32 $0x3C00, s16  }
0x10: {  	[tilespmem:s15+$0x810 ss:$0x81] =	vst.msk $0xffff, v2;
	s31 =	sand.u32 $0x7, s13;
	s16 =	sor.u32 s17, s16;
	s17 =	sadd.s32 s3, s30  }
0x11: {  	[tilespmem:s15+$0x1020 ss:$0x81] =	vst.msk $0xffff, v0;
	s13 =	sshll.u32 s31, $0x12;
	s12 =	sadd.s32 s12, s17;
	s16 =	sshrl.u32 s16, $0x3  }
0x12: {  	[tilespmem:s15+$0x0 ss:$0x81] =	vst.msk $0xffff, v1;
	s13 =	sor.u32 $0x400, s13;
	s12 =	sadd.s32 s16, s12  }
0x13: {  	[hbm4b:s12+s13] =	stream.strided.scatter [tilespmem:s14], [sflag:$0x2], $0x2000, s8, s13, $0x20;
	[tilespmem:$0x8080] =	vst v63  }
.LBB1_5:
0x14: {  	s14 =	sadd.s32 $0x1, s9  }
0x15: {  	s12 =	sadd.s32 $0x1000, s10;
	s16 =	smov.u32 s10;
	p2 =	sgt.s32 s14, $0x19  }
0x16: {  	s16 =	smov.u32 @p2 s12  }
0x17: {  	s14 =	simm.s32 @p2 $0x0;
	p2 =	sgt.s32 s16, $0x3FFF  }
0x18: {  	s16 =	smov.u32 @p2 s2;
	p2 =	sne.s32 s11, s7  }
.Ltmp1:
0x19: {  	p1 =	slt.u32 s11, $0x2;
	(pc) =	sbr.rel @!p2 .LBB1_6-.Ltmp1, $4  }
0x1a: {  	s15 =	simm.s32 @!p1 $0x2  }
0x1b: {  	s13 =	smov.u32 s10;
	p0 =	por !p0, !p0;
	_ =	swait.ge @!p1 [sflag:s15], $0x2000  }
0x1c: {  	s12 =	smov.u32 s9;
	[sflag:s15] =	ssyncset.done @!p1 $0x0;
	s9 =	smov.u32 s14  }
0x1d: {  	s11 =	sadd.s32 $0x1, s11;
	[sflag:s15] =	ssyncadd.s32 @!p1 $0xFFFFE000;
	s10 =	smov.u32 s16  }
.LBB1_1:
0x1e: {  	p1 =	sge.u32 s11, s5  }
0x1f: {  	s31 =	sadd.s32 $0xFFFFFFFF, s11;
	s14 =	sxor.u32 @!p1 $0xFFFFFFFF, s11  }
0x20: {  	s15 =	sshll.u32 @!p1 s10, $0x9;
	s16 =	sshll.u32 @!p1 s9, $0x4;
	s17 =	simm.s32 @!p1 $0x1000  }
0x21: {  	s14 =	sshll.u32 @!p1 s14, $0xD;
	s16 =	sand.u32 @!p1 $0x1F0, s16;
	s15 =	sadd.s32 @!p1 s6, s15  }
0x22: {  	s14 =	sand.u32 @!p1 $0x2000, s14;
	s15 =	sadd.s32 @!p1 s16, s15;
	s16 =	simm.s32 @!p1 $0x40  }
0x23: {  	[tilespmem:s14], [sflag:$0x1] =	stream.strided.gather @!p1 [hbm4b:s15+s16], $0x2000, s17, s16, $0x38;
	[tilespmem:$0x8080] =	vst v63  }
0x24: {  	p1 =	sge.u32 s31, s5  }
.Ltmp2:
0x25: {  	_ = 	snop;
	(pc) =	sbr.rel @p1 .LBB1_5-.Ltmp2, $1  }
0x26: {  	_ =	sdelay $0x3  }
0x27: {  	s14 =	simm.s32 $0x1  }
0x28: {  	_ =	swait.ge [sflag:s4], $0x2000;
	s14 =	simm.s32 @!p0 $0x0  }
0x29: {  	[sflag:s4] =	ssyncset.done $0x0;
	s15 =	sshll.u32 s14, $0xD  }
0x2a: {  	[sflag:s4] =	ssyncadd.s32 $0xFFFFE000;
	s18 =	sor.u32 $0x20, s15  }
0x2b: {  	s14 =	smul.u32 $0x8100, s14;
	v3 =	vld [tilespmem:s18+$0x10]  }
0x2c: {  	s30 =	sand.u32 $0x1, s11;
	v2 =	vld [tilespmem:s18+$0xFFFFFFF0]  }
0x2d: {  	s15 =	smul.u32 $0x8100, s30;
	s14 =	sshrl.u32 s14, $0x2;
	v0 =	vld [tilespmem:s18+$0x0]  }
0x2e: {  	v1 =	vld [tilespmem:s18+$0xFFFFFFE0];
	s16 =	sor.u32 $0x4000, s14  }
0x2f: {  	s31 =	sshrl.u32 s15, $0x2;
	s15 =	sadd.s32 $0x0, s16  }
0x30: {  	s17 =	simm.s32 $0x4;
	s18 =	sadd.s32 $0x40, s18;
	s14 =	sor.u32 $0x4000, s31;
	[tilespmem:s15+$0x1830 ss:$0x81] =	vst.msk $0xffff, v3  }
.LBB1_3:
0x31: {  	v3 =	vld [tilespmem:s18+$0x10];
	p1 =	sne.s32 s17, $0x1FC;
	[tilespmem:s15+$0x810 ss:$0x81] =	vst.msk $0xffff, v2;
	s19 =	smov.u32 s17;
	s17 =	sadd.s32 $0x4, s17  }
.Ltmp3:
0x32: {  	v2 =	vld [tilespmem:s18+$0xFFFFFFF0];
	[tilespmem:s15+$0x1020 ss:$0x81] =	vst.msk $0xffff, v0;
	(pc) =	sbr.rel @p1 .LBB1_3-.Ltmp3, $4  }
0x33: {  	v0 =	vld [tilespmem:s18+$0x0];
	[tilespmem:s15+$0x0 ss:$0x81] =	vst.msk $0xffff, v1  }
0x34: {  	s15 =	sshra.s32 s19, $0x2;
	v1 =	vld [tilespmem:s18+$0xFFFFFFE0]  }
0x35: {  	s15 =	sadd.s32 s15, s16  }
0x36: {  	s18 =	sadd.s32 $0x40, s18;
	[tilespmem:s15+$0x1830 ss:$0x81] =	vst.msk $0xffff, v3  }
.Ltmp4:
0x37: {  	_ = 	snop;
	(pc) =	sbr.rel .LBB1_4-.Ltmp4, $1  }
0x38: {  	_ =	sdelay $0x3  }
.LBB1_6:
0x39: {  	_ =	sfence.sel $0x180000  }
0x3a: {  	s2 =	simm.s32 $0x1;
	[bflag:$0x0] =	sbarrier.arrive $0xFFFF  }
0x3b: {  	s31 =	simm.s32 $0x2;
	[sflag:s2] =	ssyncpa.u1 $0x1  }
0x3c: {  	[sflag:s31] =	ssyncpa.u1 $0x1  }
0x3d: {  	p0 =	sne.s32 s0, $0x0;
	_ =	strace $0x9000004A  }
0x3e: {  	s0 =	sadd.s32 @!p0 $0x100000, s1;
	[bflag:$0x2] =	sbarrier.arrive $0xFFFF  }
0x3f: {  	[sflag:s0] =	ssyncadd.tile.s32 @!p0 $0x1;
	_ =	shalt  }
.Lfunc_end1:
_tile_overlayer_lowered:
.L_overlay_start_2:
0x40: {  	(tag) =	ssettag $0x2  }
0x41: {  	s0 =	rddreg [dreg:$0x0];
	s2 =	stileid.u32  }
0x42: {  	s1 =	rddreg [dreg:$0x1];
	p0 =	sne.s32 s2, $0x0  }
0x43: {  	s3 =	rddreg [dreg:$0x2];
	[bflag:$0x3] =	sbarrier.arrive $0xFFFF;
	s2 =	simm.s32 @!p0 $0x1C01  }
0x44: {  	[timem:s3], [sflag:s2] =	dma.local @!p0 [hbm:s0], s1  }
0x45: {  	s0 =	simm.s32 @!p0 $0x1  }
0x46: {  	_ =	swait.ge @!p0 [sflag:s0], s1  }
0x47: {  	s1 =	ssub.s32 @!p0 $0x0, s1;
	[sflag:s0] =	ssyncset.done @!p0 $0x0  }
0x48: {  	[sflag:s0] =	ssyncadd.s32 @!p0 s1  }
0x49: {  	[bflag:$0x3] =	sbarrier.arrive $0xFFFF  }
0x4a: {  	_ =	shalt  }

</sc_bundles>
